<compile_context>
chip_gen: v7x
topology: tpu7x:2x2x1
jax: 0.10.2.dev20260603
libtpu: 0.0.44.dev20260713+nightly
codegen_flags: <defaults>
</compile_context>

<pallas_src>
import functools

import jax
import jax.numpy as jnp
from jax import lax
from jax.experimental import pallas as pl
from jax.experimental.pallas import tpu as pltpu
from jax.experimental.pallas import tpu_sc as plsc

D_MODEL_ = 768
D_FF_ = 3072
N_EXP_ = 8
N_TOK_ = 2048
LANES_ = 128
N_ASSIGN_ = 2 * N_TOK_
BLK_ = 512
GMAX_ = 15
S_PAD_ = GMAX_ * BLK_
CHUNK_ = 1024
N_CHUNK_ = N_ASSIGN_ // CHUNK_
SQRT1_2_ = 0.7071067811865476


def _gelu_exact(h):
    return h * 0.5 * (1.0 + lax.erf(h * jnp.float32(SQRT1_2_)))


def _route_meta_kernel(xt_ref, wr_ref, br_ref,
                       dest_ref, w_ref, eblk_ref, valid_ref, m_ref):
    lane = lax.broadcasted_iota(jnp.int32, (N_TOK_, LANES_), 1)
    evalid = lane < N_EXP_
    logits = lax.dot_general(
        xt_ref[...], wr_ref[...], (((1,), (0,)), ((), ())),
        preferred_element_type=jnp.float32) + br_ref[...]
    logits = jnp.where(evalid, logits, jnp.float32(-1e30))
    mx = jnp.max(logits, axis=1, keepdims=True)
    ex = jnp.where(evalid, jnp.exp(logits - mx), 0.0)
    probs = ex / jnp.sum(ex, axis=1, keepdims=True)
    m1 = jnp.max(probs, axis=1, keepdims=True)
    i1 = jnp.min(jnp.where(probs == m1, lane, N_EXP_), axis=1, keepdims=True)
    sel1 = lane == i1
    probs2 = jnp.where(sel1, -1.0, probs)
    m2 = jnp.max(probs2, axis=1, keepdims=True)
    i2 = jnp.min(jnp.where(probs2 == m2, lane, N_EXP_), axis=1, keepdims=True)
    sel2 = lane == i2
    tot = jnp.clip(m1 + m2, 1e-9, None)
    w_ref[...] = (jnp.where(lane == 0, m1, 0.0)
                  + jnp.where(lane == 1, m2, 0.0)) / tot

    sel1f = sel1.astype(jnp.float32)
    sel2f = sel2.astype(jnp.float32)
    m_ref[:N_TOK_] = sel1f
    m_ref[N_TOK_:] = sel2f
    counts = (jnp.sum(sel1f, axis=0, keepdims=True)
              + jnp.sum(sel2f, axis=0, keepdims=True))

    nblk = jnp.floor((counts + (BLK_ - 1)) * (1.0 / BLK_))
    rowi = lax.broadcasted_iota(jnp.int32, (LANES_, LANES_), 0)
    coli = lax.broadcasted_iota(jnp.int32, (LANES_, LANES_), 1)
    triu_strict = (rowi < coli).astype(jnp.float32)
    blkoff = lax.dot_general(nblk, triu_strict, (((1,), (0,)), ((), ())),
                             preferred_element_type=jnp.float32)
    off_pad = blkoff * jnp.float32(BLK_)

    row = lax.broadcasted_iota(jnp.int32, (CHUNK_, CHUNK_), 0)
    col = lax.broadcasted_iota(jnp.int32, (CHUNK_, CHUNK_), 1)
    tril_strict = (col < row).astype(jnp.float32)

    def body(c, carry):
        off = pl.multiple_of(c * CHUNK_, CHUNK_)
        mc = m_ref[pl.ds(off, CHUNK_), :]
        rank_c = lax.dot_general(
            tril_strict, mc, (((1,), (0,)), ((), ())),
            preferred_element_type=jnp.float32) + carry
        dest_ref[pl.ds(off, CHUNK_), :] = jnp.sum(
            (rank_c + off_pad) * mc, axis=1, keepdims=True).astype(jnp.int32)
        return carry + jnp.sum(mc, axis=0, keepdims=True)

    lax.fori_loop(0, N_CHUNK_, body, jnp.zeros((1, LANES_), jnp.float32))

    ones = jnp.ones((LANES_, LANES_), jnp.float32)
    onehot8 = jnp.logical_and(rowi == coli, rowi < N_EXP_).astype(jnp.float32)
    off_rows = onehot8 * blkoff
    off_bcast = lax.dot_general(off_rows, ones, (((1,), (0,)), ((), ())),
                                preferred_element_type=jnp.float32)
    g_row = lax.broadcasted_iota(jnp.int32, (N_EXP_, LANES_), 1
                                 ).astype(jnp.float32)
    ge = (g_row >= off_bcast[:N_EXP_]).astype(jnp.float32)
    eblk_ref[...] = (jnp.sum(ge, axis=0, keepdims=True) - 1.0
                     ).astype(jnp.int32)
    emask = lax.broadcasted_iota(jnp.int32, (1, LANES_), 1) < N_EXP_
    total = lax.dot_general(jnp.where(emask, nblk, 0.0), ones,
                            (((1,), (0,)), ((), ())),
                            preferred_element_type=jnp.float32)
    gl = lax.broadcasted_iota(jnp.int32, (1, LANES_), 1).astype(jnp.float32)
    valid_ref[...] = (gl < total).astype(jnp.int32)


def _gmm_kernel(eblk_ref, valid_ref, xs_ref, w1_ref, b1_ref, w2_ref, b2_ref,
                ys_ref):
    g = pl.program_id(0)

    @pl.when(valid_ref[g] == 1)
    def _():
        h = lax.dot_general(
            xs_ref[...].astype(jnp.bfloat16), w1_ref[0],
            (((1,), (0,)), ((), ())),
            preferred_element_type=jnp.float32) + b1_ref[0]
        h = _gelu_exact(h)
        ys_ref[...] = lax.dot_general(
            h.astype(jnp.bfloat16), w2_ref[0], (((1,), (0,)), ((), ())),
            preferred_element_type=jnp.float32) + b2_ref[0]


def _combine_kernel(yp_ref, w_ref, out_ref):
    lane = lax.broadcasted_iota(jnp.int32, (N_TOK_, LANES_), 1)
    w0 = jnp.sum(jnp.where(lane == 0, w_ref[...], 0.0), axis=1, keepdims=True)
    w1 = jnp.sum(jnp.where(lane == 1, w_ref[...], 0.0), axis=1, keepdims=True)
    out_ref[...] = w0 * yp_ref[:N_TOK_] + w1 * yp_ref[N_TOK_:]


_NC_ = 2
_NS_ = 16
_NW_ = _NC_ * _NS_
_APW_ = N_ASSIGN_ // _NW_


def _sc_mesh():
    return plsc.VectorSubcoreMesh(core_axis_name="c", subcore_axis_name="s",
                                  num_cores=_NC_, num_subcores=_NS_)


def _scatter_x_body(xt_hbm, dest_hbm, xs_hbm, idx_v, rows_v, sem):
    wid = lax.axis_index("s") * _NC_ + lax.axis_index("c")
    base = wid * _APW_
    src = lax.rem(base, N_TOK_)
    pltpu.sync_copy(dest_hbm.at[pl.ds(base, _APW_)], idx_v)
    pltpu.sync_copy(xt_hbm.at[pl.ds(src, _APW_)], rows_v)
    pltpu.async_copy(rows_v, xs_hbm.at[idx_v], sem).wait()


def _gather_y_body(ys_hbm, dest_hbm, yp_hbm, idx_v, rows_v, sem):
    wid = lax.axis_index("s") * _NC_ + lax.axis_index("c")
    base = wid * _APW_
    pltpu.sync_copy(dest_hbm.at[pl.ds(base, _APW_)], idx_v)
    pltpu.async_copy(ys_hbm.at[idx_v], rows_v, sem).wait()
    pltpu.sync_copy(rows_v, yp_hbm.at[pl.ds(base, _APW_)])


def _sc_scatter_x(xt, dest):
    return pl.kernel(
        _scatter_x_body,
        out_type=jax.ShapeDtypeStruct((S_PAD_, D_MODEL_), jnp.float32),
        mesh=_sc_mesh(),
        scratch_types=[
            pltpu.VMEM((_APW_,), jnp.int32),
            pltpu.VMEM((_APW_, D_MODEL_), jnp.float32),
            pltpu.SemaphoreType.DMA,
        ],
    )(xt, dest)


def _sc_gather_y(ys, dest):
    return pl.kernel(
        _gather_y_body,
        out_type=jax.ShapeDtypeStruct((N_ASSIGN_, D_MODEL_), jnp.float32),
        mesh=_sc_mesh(),
        scratch_types=[
            pltpu.VMEM((_APW_,), jnp.int32),
            pltpu.VMEM((_APW_, D_MODEL_), jnp.float32),
            pltpu.SemaphoreType.DMA,
        ],
    )(ys, dest)


@jax.jit
def kernel(x, Wr, br, W1, b1, W2, b2):
    orig_shape = x.shape
    xt = x.reshape(-1, D_MODEL_)
    wr_pad = jnp.zeros((D_MODEL_, LANES_), jnp.float32).at[:, :N_EXP_].set(Wr)
    br_pad = jnp.zeros((LANES_,), jnp.float32).at[:N_EXP_].set(br)

    dest2d, w_pair, eblk2d, valid2d = pl.pallas_call(
        _route_meta_kernel,
        in_specs=[
            pl.BlockSpec((N_TOK_, D_MODEL_), lambda: (0, 0)),
            pl.BlockSpec((D_MODEL_, LANES_), lambda: (0, 0)),
            pl.BlockSpec((LANES_,), lambda: (0,)),
        ],
        out_specs=[
            pl.BlockSpec((N_ASSIGN_, 1), lambda: (0, 0)),
            pl.BlockSpec((N_TOK_, LANES_), lambda: (0, 0)),
            pl.BlockSpec((1, LANES_), lambda: (0, 0)),
            pl.BlockSpec((1, LANES_), lambda: (0, 0)),
        ],
        out_shape=[
            jax.ShapeDtypeStruct((N_ASSIGN_, 1), jnp.int32),
            jax.ShapeDtypeStruct((N_TOK_, LANES_), jnp.float32),
            jax.ShapeDtypeStruct((1, LANES_), jnp.int32),
            jax.ShapeDtypeStruct((1, LANES_), jnp.int32),
        ],
        scratch_shapes=[
            pltpu.VMEM((N_ASSIGN_, LANES_), jnp.float32),
        ],
    )(xt, wr_pad, br_pad)

    dest = dest2d.reshape(N_ASSIGN_)
    eblk = eblk2d.reshape(LANES_)[:GMAX_]
    valid = valid2d.reshape(LANES_)[:GMAX_]

    xs = _sc_scatter_x(xt, dest)

    ys = pl.pallas_call(
        _gmm_kernel,
        grid_spec=pltpu.PrefetchScalarGridSpec(
            num_scalar_prefetch=2,
            grid=(GMAX_,),
            in_specs=[
                pl.BlockSpec((BLK_, D_MODEL_), lambda g, eb, vd: (g, 0)),
                pl.BlockSpec((1, D_MODEL_, D_FF_),
                             lambda g, eb, vd: (eb[g], 0, 0)),
                pl.BlockSpec((1, 1, D_FF_), lambda g, eb, vd: (eb[g], 0, 0)),
                pl.BlockSpec((1, D_FF_, D_MODEL_),
                             lambda g, eb, vd: (eb[g], 0, 0)),
                pl.BlockSpec((1, 1, D_MODEL_),
                             lambda g, eb, vd: (eb[g], 0, 0)),
            ],
            out_specs=pl.BlockSpec((BLK_, D_MODEL_), lambda g, eb, vd: (g, 0)),
        ),
        out_shape=jax.ShapeDtypeStruct((S_PAD_, D_MODEL_), jnp.float32),
    )(eblk, valid, xs, W1.astype(jnp.bfloat16),
      b1.reshape(N_EXP_, 1, D_FF_), W2.astype(jnp.bfloat16),
      b2.reshape(N_EXP_, 1, D_MODEL_))

    yp = _sc_gather_y(ys, dest)

    out = pl.pallas_call(
        _combine_kernel,
        in_specs=[
            pl.BlockSpec((N_ASSIGN_, D_MODEL_), lambda: (0, 0)),
            pl.BlockSpec((N_TOK_, LANES_), lambda: (0, 0)),
        ],
        out_specs=pl.BlockSpec((N_TOK_, D_MODEL_), lambda: (0, 0)),
        out_shape=jax.ShapeDtypeStruct((N_TOK_, D_MODEL_), jnp.float32),
    )(yp, w_pair)
    return out.reshape(orig_shape)

# --- scband reference (transcript-rebuilt; emitter-appended) ---
"""Pipeline reference for scband-sparse-mo-effn-27384711479464 (READ-ONLY COPY).

The authoritative reference and input builder live on the scoring server;
editing this copy changes nothing except your own understanding.
"""

import jax, jax.numpy as jnp
import numpy as np

D_MODEL = 768
D_FF = 3072
N_EXPERTS = 8
TOP_K = 2


def setup_inputs(seed: int = 0) -> dict:
    key = jax.random.key(seed)
    ks = jax.random.split(key, 8)
    x = jax.random.normal(ks[0], (1, 2048, D_MODEL), dtype=jnp.float32)
    # router: linear d_model -> num_experts (init std=0.02, zero bias)
    Wr = jax.random.normal(ks[1], (D_MODEL, N_EXPERTS), dtype=jnp.float32) * 0.02
    br = jnp.zeros((N_EXPERTS,), dtype=jnp.float32)
    # per-expert FFN weights: linear1 [d_model, d_ff], linear2 [d_ff, d_model]
    W1 = jax.random.normal(ks[2], (N_EXPERTS, D_MODEL, D_FF), dtype=jnp.float32) * (1.0 / np.sqrt(D_MODEL))
    b1 = jnp.zeros((N_EXPERTS, D_FF), dtype=jnp.float32)
    W2 = jax.random.normal(ks[3], (N_EXPERTS, D_FF, D_MODEL), dtype=jnp.float32) * (1.0 / np.sqrt(D_FF))
    b2 = jnp.zeros((N_EXPERTS, D_MODEL), dtype=jnp.float32)
    return {"x": x, "Wr": Wr, "br": br, "W1": W1, "b1": b1, "W2": W2, "b2": b2}


def reference(x, Wr, br, W1, b1, W2, b2):
    # token-level routing: flatten leading dims to [N_tokens, d_model]
    orig_shape = x.shape
    xt = x.reshape(-1, D_MODEL)
    # router logits + softmax routing weights (router_noise_std=0 -> no noise at eval)
    logits = xt @ Wr + br                      # [N, E]
    probs = jax.nn.softmax(logits, axis=-1)    # [N, E]
    # top-k selection, renormalize selected weights to sum to 1
    topw, topi = jax.lax.top_k(probs, TOP_K)   # [N, K]
    topw = topw / jnp.clip(topw.sum(axis=-1, keepdims=True), 1e-9, None)
    # combine weights scattered into [N, E] (zero for unselected experts)
    combine = (topw[:, :, None] * jax.nn.one_hot(topi, N_EXPERTS, dtype=xt.dtype)).sum(axis=1)  # [N, E]
    # expert FFNs: linear1 -> gelu -> linear2 (dropout=0.0)
    h = jnp.einsum('nd,edf->enf', xt, W1) + b1[:, None, :]   # [E, N, d_ff]
    h = jax.nn.gelu(h, approximate=False)
    y = jnp.einsum('enf,efd->end', h, W2) + b2[:, None, :]   # [E, N, d_model]
    out = jnp.einsum('ne,end->nd', combine, y)               # [N, d_model]
    return out.reshape(orig_shape)

if __name__ == "__main__":
    import jax
    _d = setup_inputs()
    print(jax.jit(kernel)(*tuple(_d.values())))

</pallas_src>

<mosaic_0001>
#map = affine_map<(d0, d1) -> (0, 0)>
#map1 = affine_map<(d0, d1) -> (0)>
module attributes {stable_mosaic.version = 14 : i64} {
  func.func @_scatter_x_body(%arg0: i32, %arg1: i32, %arg2: memref<2048x768xf32, #tpu.memory_space<hbm>>, %arg3: memref<4096xi32, #tpu.memory_space<hbm>>, %arg4: memref<7680x768xf32, #tpu.memory_space<hbm>>, %arg5: memref<128xi32, #tpu.memory_space<vmem>>, %arg6: memref<128x768xf32, #tpu.memory_space<vmem>>, %arg7: memref<!tpu.dma_semaphore, #tpu.memory_space<semaphore_mem>>) attributes {dimension_semantics = [#tpu.dimension_semantics<core_parallel>, #tpu.dimension_semantics<subcore_parallel>], iteration_bounds = array<i64: 2, 16>, scalar_prefetch = 0 : i64, scratch_operands = 3 : i64, tpu.core_type = #tpu.core_type<sc_vector_subcore>, window_params = [{transform_indices = #map}, {transform_indices = #map1}, {transform_indices = #map}]} {
    %mul3A = arith.constant 2 : i32
    %mul3A_0 = arith.muli %arg1, %mul3A : i32
    %add3A = arith.addi %mul3A_0, %arg0 : i32
    %mul3A_1 = arith.constant 128 : i32
    %mul3A_2 = arith.muli %add3A, %mul3A_1 : i32
    %rem3A = arith.constant 2048 : i32
    %rem3A_3 = arith.remsi %mul3A_2, %rem3A : i32
    "tpu.region"() ({
      %run_scoped3A = tpu.sem_alloc : memref<!tpu.dma_semaphore, #tpu.memory_space<semaphore_mem>>
      %dma_start3A_8 = tpu.memref_slice %arg3[%mul3A_2] : memref<4096xi32, #tpu.memory_space<hbm>> -> memref<128xi32, #tpu.memory_space<hbm>>
      %dma_start3A_9 = tpu.memref_slice %arg3[%mul3A_2] : memref<4096xi32, #tpu.memory_space<hbm>> -> memref<128xi32, #tpu.memory_space<hbm>>
      tpu.enqueue_dma source(%dma_start3A_9 : memref<128xi32, #tpu.memory_space<hbm>>) target(%arg5 : memref<128xi32, #tpu.memory_space<vmem>>) target_semaphore(%run_scoped3A : memref<!tpu.dma_semaphore, #tpu.memory_space<semaphore_mem>>)
      %dma_wait3A_10 = tpu.memref_slice %arg3[%mul3A_2] : memref<4096xi32, #tpu.memory_space<hbm>> -> memref<128xi32, #tpu.memory_space<hbm>>
      %dma_wait3A_11 = tpu.memref_slice %arg3[%mul3A_2] : memref<4096xi32, #tpu.memory_space<hbm>> -> memref<128xi32, #tpu.memory_space<hbm>>
      tpu.wait_dma2 semaphore(%run_scoped3A : memref<!tpu.dma_semaphore, #tpu.memory_space<semaphore_mem>>) src(%dma_wait3A_11 : memref<128xi32, #tpu.memory_space<hbm>>) dst(%arg5 : memref<128xi32, #tpu.memory_space<vmem>>)
      tpu.yield
    }) : () -> ()
    "tpu.region"() ({
      %run_scoped3A = tpu.sem_alloc : memref<!tpu.dma_semaphore, #tpu.memory_space<semaphore_mem>>
      %dma_start3A_8 = arith.constant 0 : i32
      %dma_start3A_9 = tpu.memref_slice %arg2[%rem3A_3, %dma_start3A_8] : memref<2048x768xf32, #tpu.memory_space<hbm>> -> memref<128x768xf32, #tpu.memory_space<hbm>>
      %dma_start3A_10 = arith.constant 0 : i32
      %dma_start3A_11 = tpu.memref_slice %arg2[%rem3A_3, %dma_start3A_10] : memref<2048x768xf32, #tpu.memory_space<hbm>> -> memref<128x768xf32, #tpu.memory_space<hbm>>
      tpu.enqueue_dma source(%dma_start3A_11 : memref<128x768xf32, #tpu.memory_space<hbm>>) target(%arg6 : memref<128x768xf32, #tpu.memory_space<vmem>>) target_semaphore(%run_scoped3A : memref<!tpu.dma_semaphore, #tpu.memory_space<semaphore_mem>>)
      %dma_wait3A_12 = arith.constant 0 : i32
      %dma_wait3A_13 = tpu.memref_slice %arg2[%rem3A_3, %dma_wait3A_12] : memref<2048x768xf32, #tpu.memory_space<hbm>> -> memref<128x768xf32, #tpu.memory_space<hbm>>
      %dma_wait3A_14 = arith.constant 0 : i32
      %dma_wait3A_15 = tpu.memref_slice %arg2[%rem3A_3, %dma_wait3A_14] : memref<2048x768xf32, #tpu.memory_space<hbm>> -> memref<128x768xf32, #tpu.memory_space<hbm>>
      tpu.wait_dma2 semaphore(%run_scoped3A : memref<!tpu.dma_semaphore, #tpu.memory_space<semaphore_mem>>) src(%dma_wait3A_15 : memref<128x768xf32, #tpu.memory_space<hbm>>) dst(%arg6 : memref<128x768xf32, #tpu.memory_space<vmem>>)
      tpu.yield
    }) : () -> ()
    %dma_start3A = arith.constant 0 : i32
    %dma_start3A_4 = arith.constant 0 : i32
    %dma_start3A_5 = tpu.memref_slice %arg4[%dma_start3A, %dma_start3A_4] : memref<7680x768xf32, #tpu.memory_space<hbm>> -> memref<7680x768xf32, #tpu.memory_space<hbm>>
    tpu.enqueue_indirect_dma source(%arg6 : memref<128x768xf32, #tpu.memory_space<vmem>>) target(%dma_start3A_5 : memref<7680x768xf32, #tpu.memory_space<hbm>>) offsets(%arg5 : memref<128xi32, #tpu.memory_space<vmem>>) semaphore(%arg7 : memref<!tpu.dma_semaphore, #tpu.memory_space<semaphore_mem>>)
    %dma_wait3A = arith.constant 0 : i32
    %dma_wait3A_6 = arith.constant 0 : i32
    %dma_wait3A_7 = tpu.memref_slice %arg4[%dma_wait3A, %dma_wait3A_6] : memref<7680x768xf32, #tpu.memory_space<hbm>> -> memref<7680x768xf32, #tpu.memory_space<hbm>>
    tpu.wait_indirect_dma semaphore(%arg7 : memref<!tpu.dma_semaphore, #tpu.memory_space<semaphore_mem>>) src(%arg6 : memref<128x768xf32, #tpu.memory_space<vmem>>) dst(%dma_wait3A_7 : memref<7680x768xf32, #tpu.memory_space<hbm>>)
    return
  }
}

#map = affine_map<(d0, d1) -> (0, 0)>
#map1 = affine_map<(d0, d1) -> (0)>
module attributes {stable_mosaic.version = 14 : i64} {
  func.func @_gather_y_body(%arg0: i32, %arg1: i32, %arg2: memref<7680x768xf32, #tpu.memory_space<hbm>>, %arg3: memref<4096xi32, #tpu.memory_space<hbm>>, %arg4: memref<4096x768xf32, #tpu.memory_space<hbm>>, %arg5: memref<128xi32, #tpu.memory_space<vmem>>, %arg6: memref<128x768xf32, #tpu.memory_space<vmem>>, %arg7: memref<!tpu.dma_semaphore, #tpu.memory_space<semaphore_mem>>) attributes {dimension_semantics = [#tpu.dimension_semantics<core_parallel>, #tpu.dimension_semantics<subcore_parallel>], iteration_bounds = array<i64: 2, 16>, scalar_prefetch = 0 : i64, scratch_operands = 3 : i64, tpu.core_type = #tpu.core_type<sc_vector_subcore>, window_params = [{transform_indices = #map}, {transform_indices = #map1}, {transform_indices = #map}]} {
    %mul3A = arith.constant 2 : i32
    %mul3A_0 = arith.muli %arg1, %mul3A : i32
    %add3A = arith.addi %mul3A_0, %arg0 : i32
    %mul3A_1 = arith.constant 128 : i32
    %mul3A_2 = arith.muli %add3A, %mul3A_1 : i32
    "tpu.region"() ({
      %run_scoped3A = tpu.sem_alloc : memref<!tpu.dma_semaphore, #tpu.memory_space<semaphore_mem>>
      %dma_start3A_7 = tpu.memref_slice %arg3[%mul3A_2] : memref<4096xi32, #tpu.memory_space<hbm>> -> memref<128xi32, #tpu.memory_space<hbm>>
      %dma_start3A_8 = tpu.memref_slice %arg3[%mul3A_2] : memref<4096xi32, #tpu.memory_space<hbm>> -> memref<128xi32, #tpu.memory_space<hbm>>
      tpu.enqueue_dma source(%dma_start3A_8 : memref<128xi32, #tpu.memory_space<hbm>>) target(%arg5 : memref<128xi32, #tpu.memory_space<vmem>>) target_semaphore(%run_scoped3A : memref<!tpu.dma_semaphore, #tpu.memory_space<semaphore_mem>>)
      %dma_wait3A_9 = tpu.memref_slice %arg3[%mul3A_2] : memref<4096xi32, #tpu.memory_space<hbm>> -> memref<128xi32, #tpu.memory_space<hbm>>
      %dma_wait3A_10 = tpu.memref_slice %arg3[%mul3A_2] : memref<4096xi32, #tpu.memory_space<hbm>> -> memref<128xi32, #tpu.memory_space<hbm>>
      tpu.wait_dma2 semaphore(%run_scoped3A : memref<!tpu.dma_semaphore, #tpu.memory_space<semaphore_mem>>) src(%dma_wait3A_10 : memref<128xi32, #tpu.memory_space<hbm>>) dst(%arg5 : memref<128xi32, #tpu.memory_space<vmem>>)
      tpu.yield
    }) : () -> ()
    %dma_start3A = arith.constant 0 : i32
    %dma_start3A_3 = arith.constant 0 : i32
    %dma_start3A_4 = tpu.memref_slice %arg2[%dma_start3A, %dma_start3A_3] : memref<7680x768xf32, #tpu.memory_space<hbm>> -> memref<7680x768xf32, #tpu.memory_space<hbm>>
    tpu.enqueue_indirect_dma source(%dma_start3A_4 : memref<7680x768xf32, #tpu.memory_space<hbm>>) target(%arg6 : memref<128x768xf32, #tpu.memory_space<vmem>>) offsets(%arg5 : memref<128xi32, #tpu.memory_space<vmem>>) semaphore(%arg7 : memref<!tpu.dma_semaphore, #tpu.memory_space<semaphore_mem>>)
    %dma_wait3A = arith.constant 0 : i32
    %dma_wait3A_5 = arith.constant 0 : i32
    %dma_wait3A_6 = tpu.memref_slice %arg2[%dma_wait3A, %dma_wait3A_5] : memref<7680x768xf32, #tpu.memory_space<hbm>> -> memref<7680x768xf32, #tpu.memory_space<hbm>>
    tpu.wait_indirect_dma semaphore(%arg7 : memref<!tpu.dma_semaphore, #tpu.memory_space<semaphore_mem>>) src(%dma_wait3A_6 : memref<7680x768xf32, #tpu.memory_space<hbm>>) dst(%arg6 : memref<128x768xf32, #tpu.memory_space<vmem>>)
    "tpu.region"() ({
      %run_scoped3A = tpu.sem_alloc : memref<!tpu.dma_semaphore, #tpu.memory_space<semaphore_mem>>
      %dma_start3A_7 = arith.constant 0 : i32
      %dma_start3A_8 = tpu.memref_slice %arg4[%mul3A_2, %dma_start3A_7] : memref<4096x768xf32, #tpu.memory_space<hbm>> -> memref<128x768xf32, #tpu.memory_space<hbm>>
      %dma_start3A_9 = arith.constant 0 : i32
      %dma_start3A_10 = tpu.memref_slice %arg4[%mul3A_2, %dma_start3A_9] : memref<4096x768xf32, #tpu.memory_space<hbm>> -> memref<128x768xf32, #tpu.memory_space<hbm>>
      tpu.enqueue_dma source(%arg6 : memref<128x768xf32, #tpu.memory_space<vmem>>) target(%dma_start3A_10 : memref<128x768xf32, #tpu.memory_space<hbm>>) target_semaphore(%run_scoped3A : memref<!tpu.dma_semaphore, #tpu.memory_space<semaphore_mem>>)
      %dma_wait3A_11 = arith.constant 0 : i32
      %dma_wait3A_12 = tpu.memref_slice %arg4[%mul3A_2, %dma_wait3A_11] : memref<4096x768xf32, #tpu.memory_space<hbm>> -> memref<128x768xf32, #tpu.memory_space<hbm>>
      %dma_wait3A_13 = arith.constant 0 : i32
      %dma_wait3A_14 = tpu.memref_slice %arg4[%mul3A_2, %dma_wait3A_13] : memref<4096x768xf32, #tpu.memory_space<hbm>> -> memref<128x768xf32, #tpu.memory_space<hbm>>
      tpu.wait_dma2 semaphore(%run_scoped3A : memref<!tpu.dma_semaphore, #tpu.memory_space<semaphore_mem>>) src(%arg6 : memref<128x768xf32, #tpu.memory_space<vmem>>) dst(%dma_wait3A_14 : memref<128x768xf32, #tpu.memory_space<hbm>>)
      tpu.yield
    }) : () -> ()
    return
  }
}

module attributes {stable_mosaic.version = 14 : i64} {
  func.func @_route_meta_kernel(%arg0: memref<2048x768xf32, #tpu.memory_space<vmem>>, %arg1: memref<768x128xf32, #tpu.memory_space<vmem>>, %arg2: memref<128xf32, #tpu.memory_space<vmem>>, %arg3: memref<4096x1xi32, #tpu.memory_space<vmem>>, %arg4: memref<2048x128xf32, #tpu.memory_space<vmem>>, %arg5: memref<1x128xi32, #tpu.memory_space<vmem>>, %arg6: memref<1x128xi32, #tpu.memory_space<vmem>>, %arg7: memref<4096x128xf32, #tpu.memory_space<vmem>>) attributes {dimension_semantics = [], scalar_prefetch = 0 : i64, scratch_operands = 1 : i64, tpu.core_type = #tpu.core_type<tc>} {
    %iota3A = tpu.iota {dimensions = array<i32: 1>} : vector<2048x128xi32>
    %lt3A = arith.constant 8 : i32
    %lt3A_0 = vector.broadcast %lt3A : i32 to vector<2048x128xi32>
    %lt3A_1 = arith.cmpi slt, %iota3A, %lt3A_0 : vector<2048x128xi32>
    %get3A = arith.constant 0 : index
    %get3A_2 = arith.constant 0 : index
    %get3A_3 = vector.load %arg0[%get3A, %get3A_2] : memref<2048x768xf32, #tpu.memory_space<vmem>>, vector<2048x768xf32>
    %get3A_4 = arith.constant 0 : index
    %get3A_5 = arith.constant 0 : index
    %get3A_6 = vector.load %arg1[%get3A_4, %get3A_5] : memref<768x128xf32, #tpu.memory_space<vmem>>, vector<768x128xf32>
    %dot_general3A = arith.constant dense<0.000000e+00> : vector<2048x128xf32>
    %dot_general3A_7 = tpu.matmul %get3A_3, %get3A_6, %dot_general3A {dimension_numbers = #tpu.dot_dimension_numbers<[1], [0], [0], [1], [0, 0, 1, 1], [], []>, transpose_lhs_hint = false} : vector<2048x768xf32>, vector<768x128xf32>, vector<2048x128xf32> -> vector<2048x128xf32>
    %get3A_8 = arith.constant 0 : index
    %get3A_9 = vector.load %arg2[%get3A_8] : memref<128xf32, #tpu.memory_space<vmem>>, vector<128xf32>
    %broadcast_in_dim3A = vector.shape_cast %get3A_9 : vector<128xf32> to vector<1x128xf32>
    %add3A = vector.broadcast %broadcast_in_dim3A : vector<1x128xf32> to vector<2048x128xf32>
    %add3A_10 = arith.addf %dot_general3A_7, %add3A : vector<2048x128xf32>
    %jit3A = arith.constant -1.000000e+30 : f32
    %broadcast_in_dim3A_11 = vector.broadcast %jit3A : f32 to vector<2048x128xf32>
    %select_n3A = arith.select %lt3A_1, %add3A_10, %broadcast_in_dim3A_11 : vector<2048x128xi1>, vector<2048x128xf32>
    %reduce_max3A = arith.constant dense<0xFF800000> : vector<2048xf32>
    %reduce_max3A_12 = vector.multi_reduction <maximumf>, %select_n3A, %reduce_max3A [1] : vector<2048x128xf32> to vector<2048xf32>
    %broadcast_in_dim3A_13 = vector.shape_cast %reduce_max3A_12 : vector<2048xf32> to vector<2048x1xf32>
    %sub3A = vector.broadcast %broadcast_in_dim3A_13 : vector<2048x1xf32> to vector<2048x128xf32>
    %sub3A_14 = arith.subf %select_n3A, %sub3A : vector<2048x128xf32>
    %exp3A = math.exp %sub3A_14 : vector<2048x128xf32>
    %jit3A_15 = arith.constant 0.000000e+00 : f32
    %broadcast_in_dim3A_16 = vector.broadcast %jit3A_15 : f32 to vector<2048x128xf32>
    %select_n3A_17 = arith.select %lt3A_1, %exp3A, %broadcast_in_dim3A_16 : vector<2048x128xi1>, vector<2048x128xf32>
    %reduce_sum3A = arith.constant dense<0.000000e+00> : vector<2048xf32>
    %reduce_sum3A_18 = vector.multi_reduction <add>, %select_n3A_17, %reduce_sum3A [1] : vector<2048x128xf32> to vector<2048xf32>
    %broadcast_in_dim3A_19 = vector.shape_cast %reduce_sum3A_18 : vector<2048xf32> to vector<2048x1xf32>
    %div3A = vector.broadcast %broadcast_in_dim3A_19 : vector<2048x1xf32> to vector<2048x128xf32>
    %div3A_20 = arith.divf %select_n3A_17, %div3A : vector<2048x128xf32>
    %reduce_max3A_21 = arith.constant dense<0xFF800000> : vector<2048xf32>
    %reduce_max3A_22 = vector.multi_reduction <maximumf>, %div3A_20, %reduce_max3A_21 [1] : vector<2048x128xf32> to vector<2048xf32>
    %broadcast_in_dim3A_23 = vector.shape_cast %reduce_max3A_22 : vector<2048xf32> to vector<2048x1xf32>
    %eq3A = vector.broadcast %broadcast_in_dim3A_23 : vector<2048x1xf32> to vector<2048x128xf32>
    %eq3A_24 = arith.cmpf oeq, %div3A_20, %eq3A : vector<2048x128xf32>
    %jit3A_25 = arith.constant 8 : i32
    %broadcast_in_dim3A_26 = vector.broadcast %jit3A_25 : i32 to vector<2048x128xi32>
    %select_n3A_27 = arith.select %eq3A_24, %iota3A, %broadcast_in_dim3A_26 : vector<2048x128xi1>, vector<2048x128xi32>
    %reduce_min3A = arith.constant dense<2147483647> : vector<2048xi32>
    %reduce_min3A_28 = vector.multi_reduction <minsi>, %select_n3A_27, %reduce_min3A [1] : vector<2048x128xi32> to vector<2048xi32>
    %broadcast_in_dim3A_29 = vector.shape_cast %reduce_min3A_28 : vector<2048xi32> to vector<2048x1xi32>
    %eq3A_30 = vector.broadcast %broadcast_in_dim3A_29 : vector<2048x1xi32> to vector<2048x128xi32>
    %eq3A_31 = arith.cmpi eq, %iota3A, %eq3A_30 : vector<2048x128xi32>
    %jit3A_32 = arith.constant -1.000000e+00 : f32
    %broadcast_in_dim3A_33 = vector.broadcast %jit3A_32 : f32 to vector<2048x128xf32>
    %select_n3A_34 = arith.select %eq3A_31, %broadcast_in_dim3A_33, %div3A_20 : vector<2048x128xi1>, vector<2048x128xf32>
    %reduce_max3A_35 = arith.constant dense<0xFF800000> : vector<2048xf32>
    %reduce_max3A_36 = vector.multi_reduction <maximumf>, %select_n3A_34, %reduce_max3A_35 [1] : vector<2048x128xf32> to vector<2048xf32>
    %broadcast_in_dim3A_37 = vector.shape_cast %reduce_max3A_36 : vector<2048xf32> to vector<2048x1xf32>
    %eq3A_38 = vector.broadcast %broadcast_in_dim3A_37 : vector<2048x1xf32> to vector<2048x128xf32>
    %eq3A_39 = arith.cmpf oeq, %select_n3A_34, %eq3A_38 : vector<2048x128xf32>
    %jit3A_40 = arith.constant 8 : i32
    %broadcast_in_dim3A_41 = vector.broadcast %jit3A_40 : i32 to vector<2048x128xi32>
    %select_n3A_42 = arith.select %eq3A_39, %iota3A, %broadcast_in_dim3A_41 : vector<2048x128xi1>, vector<2048x128xi32>
    %reduce_min3A_43 = arith.constant dense<2147483647> : vector<2048xi32>
    %reduce_min3A_44 = vector.multi_reduction <minsi>, %select_n3A_42, %reduce_min3A_43 [1] : vector<2048x128xi32> to vector<2048xi32>
    %broadcast_in_dim3A_45 = vector.shape_cast %reduce_min3A_44 : vector<2048xi32> to vector<2048x1xi32>
    %eq3A_46 = vector.broadcast %broadcast_in_dim3A_45 : vector<2048x1xi32> to vector<2048x128xi32>
    %eq3A_47 = arith.cmpi eq, %iota3A, %eq3A_46 : vector<2048x128xi32>
    %add3A_48 = arith.addf %broadcast_in_dim3A_23, %broadcast_in_dim3A_37 : vector<2048x1xf32>
    %jit3A_49 = arith.constant 9.99999971E-10 : f32
    %max3A = vector.broadcast %jit3A_49 : f32 to vector<2048x1xf32>
    %max3A_50 = arith.maximumf %max3A, %add3A_48 : vector<2048x1xf32>
    %eq3A_51 = arith.constant 0 : i32
    %eq3A_52 = vector.broadcast %eq3A_51 : i32 to vector<2048x128xi32>
    %eq3A_53 = arith.cmpi eq, %iota3A, %eq3A_52 : vector<2048x128xi32>
    %jit3A_54 = arith.constant 0.000000e+00 : f32
    %broadcast_in_dim3A_55 = vector.shape_cast %broadcast_in_dim3A_23 : vector<2048x1xf32> to vector<2048x1xf32>
    %broadcast_in_dim3A_56 = vector.broadcast %broadcast_in_dim3A_55 : vector<2048x1xf32> to vector<2048x128xf32>
    %broadcast_in_dim3A_57 = vector.broadcast %jit3A_54 : f32 to vector<2048x128xf32>
    %select_n3A_58 = arith.select %eq3A_53, %broadcast_in_dim3A_56, %broadcast_in_dim3A_57 : vector<2048x128xi1>, vector<2048x128xf32>
    %eq3A_59 = arith.constant 1 : i32
    %eq3A_60 = vector.broadcast %eq3A_59 : i32 to vector<2048x128xi32>
    %eq3A_61 = arith.cmpi eq, %iota3A, %eq3A_60 : vector<2048x128xi32>
    %jit3A_62 = arith.constant 0.000000e+00 : f32
    %broadcast_in_dim3A_63 = vector.shape_cast %broadcast_in_dim3A_37 : vector<2048x1xf32> to vector<2048x1xf32>
    %broadcast_in_dim3A_64 = vector.broadcast %broadcast_in_dim3A_63 : vector<2048x1xf32> to vector<2048x128xf32>
    %broadcast_in_dim3A_65 = vector.broadcast %jit3A_62 : f32 to vector<2048x128xf32>
    %select_n3A_66 = arith.select %eq3A_61, %broadcast_in_dim3A_64, %broadcast_in_dim3A_65 : vector<2048x128xi1>, vector<2048x128xf32>
    %add3A_67 = arith.addf %select_n3A_58, %select_n3A_66 : vector<2048x128xf32>
    %div3A_68 = vector.broadcast %max3A_50 : vector<2048x1xf32> to vector<2048x128xf32>
    %div3A_69 = arith.divf %add3A_67, %div3A_68 : vector<2048x128xf32>
    %swap3A = arith.constant 0 : index
    %swap3A_70 = arith.constant 0 : index
    %swap3A_71 = vector.load %arg4[%swap3A, %swap3A_70] : memref<2048x128xf32, #tpu.memory_space<vmem>>, vector<2048x128xf32>
    tpu.vector_store %arg4[%swap3A, %swap3A_70], %div3A_69 {strides = array<i32>} : memref<2048x128xf32, #tpu.memory_space<vmem>>, vector<2048x128xf32>,
    %convert_element_type3A = arith.extui %eq3A_31 : vector<2048x128xi1> to vector<2048x128xi32>
    %convert_element_type3A_72 = arith.sitofp %convert_element_type3A : vector<2048x128xi32> to vector<2048x128xf32>
    %convert_element_type3A_73 = arith.extui %eq3A_47 : vector<2048x128xi1> to vector<2048x128xi32>
    %convert_element_type3A_74 = arith.sitofp %convert_element_type3A_73 : vector<2048x128xi32> to vector<2048x128xf32>
    %swap3A_75 = arith.constant 0 : index
    %swap3A_76 = arith.constant 0 : index
    %swap3A_77 = vector.load %arg7[%swap3A_75, %swap3A_76] : memref<4096x128xf32, #tpu.memory_space<vmem>>, vector<2048x128xf32>
    tpu.vector_store %arg7[%swap3A_75, %swap3A_76], %convert_element_type3A_72 {strides = array<i32>} : memref<4096x128xf32, #tpu.memory_space<vmem>>, vector<2048x128xf32>,
    %swap3A_78 = arith.constant 2048 : index
    %swap3A_79 = arith.constant 0 : index
    %swap3A_80 = vector.load %arg7[%swap3A_78, %swap3A_79] : memref<4096x128xf32, #tpu.memory_space<vmem>>, vector<2048x128xf32>
    tpu.vector_store %arg7[%swap3A_78, %swap3A_79], %convert_element_type3A_74 {strides = array<i32>} : memref<4096x128xf32, #tpu.memory_space<vmem>>, vector<2048x128xf32>,
    %reduce_sum3A_81 = arith.constant dense<0.000000e+00> : vector<128xf32>
    %reduce_sum3A_82 = vector.multi_reduction <add>, %convert_element_type3A_72, %reduce_sum3A_81 [0] : vector<2048x128xf32> to vector<128xf32>
    %broadcast_in_dim3A_83 = vector.shape_cast %reduce_sum3A_82 : vector<128xf32> to vector<1x128xf32>
    %reduce_sum3A_84 = arith.constant dense<0.000000e+00> : vector<128xf32>
    %reduce_sum3A_85 = vector.multi_reduction <add>, %convert_element_type3A_74, %reduce_sum3A_84 [0] : vector<2048x128xf32> to vector<128xf32>
    %broadcast_in_dim3A_86 = vector.shape_cast %reduce_sum3A_85 : vector<128xf32> to vector<1x128xf32>
    %add3A_87 = arith.addf %broadcast_in_dim3A_83, %broadcast_in_dim3A_86 : vector<1x128xf32>
    %add3A_88 = arith.constant 5.110000e+02 : f32
    %add3A_89 = vector.broadcast %add3A_88 : f32 to vector<1x128xf32>
    %add3A_90 = arith.addf %add3A_87, %add3A_89 : vector<1x128xf32>
    %mul3A = arith.constant 0.001953125 : f32
    %mul3A_91 = vector.broadcast %mul3A : f32 to vector<1x128xf32>
    %mul3A_92 = arith.mulf %add3A_90, %mul3A_91 : vector<1x128xf32>
    %floor3A = math.floor %mul3A_92 : vector<1x128xf32>
    %iota3A_93 = tpu.iota {dimensions = array<i32: 0>} : vector<128x128xi32>
    %iota3A_94 = tpu.iota {dimensions = array<i32: 1>} : vector<128x128xi32>
    %lt3A_95 = arith.cmpi slt, %iota3A_93, %iota3A_94 : vector<128x128xi32>
    %convert_element_type3A_96 = arith.extui %lt3A_95 : vector<128x128xi1> to vector<128x128xi32>
    %convert_element_type3A_97 = arith.sitofp %convert_element_type3A_96 : vector<128x128xi32> to vector<128x128xf32>
    %dot_general3A_98 = arith.constant dense<0.000000e+00> : vector<1x128xf32>
    %dot_general3A_99 = tpu.matmul %floor3A, %convert_element_type3A_97, %dot_general3A_98 {dimension_numbers = #tpu.dot_dimension_numbers<[1], [0], [0], [1], [0, 0, 1, 1], [], []>, transpose_lhs_hint = false} : vector<1x128xf32>, vector<128x128xf32>, vector<1x128xf32> -> vector<1x128xf32>
    %mul3A_100 = arith.constant 5.120000e+02 : f32
    %mul3A_101 = vector.broadcast %mul3A_100 : f32 to vector<1x128xf32>
    %mul3A_102 = arith.mulf %dot_general3A_99, %mul3A_101 : vector<1x128xf32>
    %iota3A_103 = tpu.iota {dimensions = array<i32: 0>} : vector<1024x1024xi32>
    %iota3A_104 = tpu.iota {dimensions = array<i32: 1>} : vector<1024x1024xi32>
    %lt3A_105 = arith.cmpi slt, %iota3A_104, %iota3A_103 : vector<1024x1024xi32>
    %convert_element_type3A_106 = arith.extui %lt3A_105 : vector<1024x1024xi1> to vector<1024x1024xi32>
    %convert_element_type3A_107 = arith.sitofp %convert_element_type3A_106 : vector<1024x1024xi32> to vector<1024x1024xf32>
    %broadcast_in_dim3A_108 = arith.constant 0.000000e+00 : f32
    %broadcast_in_dim3A_109 = vector.broadcast %broadcast_in_dim3A_108 : f32 to vector<1x128xf32>
    %scan3A = arith.constant 0 : i32
    %scan3A_110 = arith.constant 4 : i32
    %scan3A_111 = arith.addi %scan3A, %scan3A_110 : i32
    %scan3A_112 = arith.constant 1 : i32
    %scan3A_113 = scf.for %scan3A_157 = %scan3A to %scan3A_111 step %scan3A_112 iter_args(%scan3A_158 = %broadcast_in_dim3A_109) -> (vector<1x128xf32>)  : i32 {
      %mul3A_159 = arith.constant 1024 : i32
      %mul3A_160 = arith.muli %scan3A_157, %mul3A_159 : i32
      %multiple_of3A = tpu.assume_multiple %mul3A_160, 1024 : i32
      %get3A_161 = arith.index_cast %multiple_of3A : i32 to index
      %get3A_162 = arith.constant 0 : index
      %get3A_163 = vector.load %arg7[%get3A_161, %get3A_162] : memref<4096x128xf32, #tpu.memory_space<vmem>>, vector<1024x128xf32>
      %dot_general3A_164 = arith.constant dense<0.000000e+00> : vector<1024x128xf32>
      %dot_general3A_165 = tpu.matmul %convert_element_type3A_107, %get3A_163, %dot_general3A_164 {dimension_numbers = #tpu.dot_dimension_numbers<[1], [0], [0], [1], [0, 0, 1, 1], [], []>, transpose_lhs_hint = false} : vector<1024x1024xf32>, vector<1024x128xf32>, vector<1024x128xf32> -> vector<1024x128xf32>
      %add3A_166 = vector.broadcast %scan3A_158 : vector<1x128xf32> to vector<1024x128xf32>
      %add3A_167 = arith.addf %dot_general3A_165, %add3A_166 : vector<1024x128xf32>
      %add3A_168 = vector.broadcast %mul3A_102 : vector<1x128xf32> to vector<1024x128xf32>
      %add3A_169 = arith.addf %add3A_167, %add3A_168 : vector<1024x128xf32>
      %mul3A_170 = arith.mulf %add3A_169, %get3A_163 : vector<1024x128xf32>
      %reduce_sum3A_171 = arith.constant dense<0.000000e+00> : vector<1024xf32>
      %reduce_sum3A_172 = vector.multi_reduction <add>, %mul3A_170, %reduce_sum3A_171 [1] : vector<1024x128xf32> to vector<1024xf32>
      %broadcast_in_dim3A_173 = vector.shape_cast %reduce_sum3A_172 : vector<1024xf32> to vector<1024x1xf32>
      %convert_element_type3A_174 = arith.fptosi %broadcast_in_dim3A_173 : vector<1024x1xf32> to vector<1024x1xi32>
      %swap3A_175 = arith.index_cast %multiple_of3A : i32 to index
      %swap3A_176 = arith.constant 0 : index
      %swap3A_177 = vector.load %arg3[%swap3A_175, %swap3A_176] : memref<4096x1xi32, #tpu.memory_space<vmem>>, vector<1024x1xi32>
      tpu.vector_store %arg3[%swap3A_175, %swap3A_176], %convert_element_type3A_174 {strides = array<i32>} : memref<4096x1xi32, #tpu.memory_space<vmem>>, vector<1024x1xi32>,
      %reduce_sum3A_178 = arith.constant dense<0.000000e+00> : vector<128xf32>
      %reduce_sum3A_179 = vector.multi_reduction <add>, %get3A_163, %reduce_sum3A_178 [0] : vector<1024x128xf32> to vector<128xf32>
      %broadcast_in_dim3A_180 = vector.shape_cast %reduce_sum3A_179 : vector<128xf32> to vector<1x128xf32>
      %add3A_181 = arith.addf %scan3A_158, %broadcast_in_dim3A_180 : vector<1x128xf32>
      scf.yield %add3A_181 : vector<1x128xf32>
    }
    %scan3A_114 = arith.constant 4 : i32
    %broadcast_in_dim3A_115 = arith.constant 1.000000e+00 : f32
    %broadcast_in_dim3A_116 = vector.broadcast %broadcast_in_dim3A_115 : f32 to vector<128x128xf32>
    %eq3A_117 = arith.cmpi eq, %iota3A_93, %iota3A_94 : vector<128x128xi32>
    %lt3A_118 = arith.constant 8 : i32
    %lt3A_119 = vector.broadcast %lt3A_118 : i32 to vector<128x128xi32>
    %lt3A_120 = arith.cmpi slt, %iota3A_93, %lt3A_119 : vector<128x128xi32>
    %and3A = arith.andi %eq3A_117, %lt3A_120 : vector<128x128xi1>
    %convert_element_type3A_121 = arith.extui %and3A : vector<128x128xi1> to vector<128x128xi32>
    %convert_element_type3A_122 = arith.sitofp %convert_element_type3A_121 : vector<128x128xi32> to vector<128x128xf32>
    %mul3A_123 = vector.broadcast %dot_general3A_99 : vector<1x128xf32> to vector<128x128xf32>
    %mul3A_124 = arith.mulf %convert_element_type3A_122, %mul3A_123 : vector<128x128xf32>
    %dot_general3A_125 = arith.constant dense<0.000000e+00> : vector<128x128xf32>
    %dot_general3A_126 = tpu.matmul %mul3A_124, %broadcast_in_dim3A_116, %dot_general3A_125 {dimension_numbers = #tpu.dot_dimension_numbers<[1], [0], [0], [1], [0, 0, 1, 1], [], []>, transpose_lhs_hint = false} : vector<128x128xf32>, vector<128x128xf32>, vector<128x128xf32> -> vector<128x128xf32>
    %iota3A_127 = tpu.iota {dimensions = array<i32: 1>} : vector<8x128xi32>
    %convert_element_type3A_128 = arith.sitofp %iota3A_127 : vector<8x128xi32> to vector<8x128xf32>
    %slice3A = vector.extract_strided_slice %dot_general3A_126 {offsets = [0, 0], sizes = [8, 128], strides = [1, 1]} : vector<128x128xf32> to vector<8x128xf32>
    %ge3A = arith.cmpf oge, %convert_element_type3A_128, %slice3A : vector<8x128xf32>
    %convert_element_type3A_129 = arith.extui %ge3A : vector<8x128xi1> to vector<8x128xi32>
    %convert_element_type3A_130 = arith.sitofp %convert_element_type3A_129 : vector<8x128xi32> to vector<8x128xf32>
    %reduce_sum3A_131 = arith.constant dense<0.000000e+00> : vector<128xf32>
    %reduce_sum3A_132 = vector.multi_reduction <add>, %convert_element_type3A_130, %reduce_sum3A_131 [0] : vector<8x128xf32> to vector<128xf32>
    %broadcast_in_dim3A_133 = vector.shape_cast %reduce_sum3A_132 : vector<128xf32> to vector<1x128xf32>
    %sub3A_134 = arith.constant 1.000000e+00 : f32
    %sub3A_135 = vector.broadcast %sub3A_134 : f32 to vector<1x128xf32>
    %sub3A_136 = arith.subf %broadcast_in_dim3A_133, %sub3A_135 : vector<1x128xf32>
    %convert_element_type3A_137 = arith.fptosi %sub3A_136 : vector<1x128xf32> to vector<1x128xi32>
    %swap3A_138 = arith.constant 0 : index
    %swap3A_139 = arith.constant 0 : index
    %swap3A_140 = vector.load %arg5[%swap3A_138, %swap3A_139] : memref<1x128xi32, #tpu.memory_space<vmem>>, vector<1x128xi32>
    tpu.vector_store %arg5[%swap3A_138, %swap3A_139], %convert_element_type3A_137 {strides = array<i32>} : memref<1x128xi32, #tpu.memory_space<vmem>>, vector<1x128xi32>,
    %iota3A_141 = tpu.iota {dimensions = array<i32: 1>} : vector<1x128xi32>
    %lt3A_142 = arith.constant 8 : i32
    %lt3A_143 = vector.broadcast %lt3A_142 : i32 to vector<1x128xi32>
    %lt3A_144 = arith.cmpi slt, %iota3A_141, %lt3A_143 : vector<1x128xi32>
    %jit3A_145 = arith.constant 0.000000e+00 : f32
    %broadcast_in_dim3A_146 = vector.broadcast %jit3A_145 : f32 to vector<1x128xf32>
    %select_n3A_147 = arith.select %lt3A_144, %floor3A, %broadcast_in_dim3A_146 : vector<1x128xi1>, vector<1x128xf32>
    %dot_general3A_148 = arith.constant dense<0.000000e+00> : vector<1x128xf32>
    %dot_general3A_149 = tpu.matmul %select_n3A_147, %broadcast_in_dim3A_116, %dot_general3A_148 {dimension_numbers = #tpu.dot_dimension_numbers<[1], [0], [0], [1], [0, 0, 1, 1], [], []>, transpose_lhs_hint = false} : vector<1x128xf32>, vector<128x128xf32>, vector<1x128xf32> -> vector<1x128xf32>
    %iota3A_150 = tpu.iota {dimensions = array<i32: 1>} : vector<1x128xi32>
    %convert_element_type3A_151 = arith.sitofp %iota3A_150 : vector<1x128xi32> to vector<1x128xf32>
    %lt3A_152 = arith.cmpf olt, %convert_element_type3A_151, %dot_general3A_149 : vector<1x128xf32>
    %convert_element_type3A_153 = arith.extui %lt3A_152 : vector<1x128xi1> to vector<1x128xi32>
    %swap3A_154 = arith.constant 0 : index
    %swap3A_155 = arith.constant 0 : index
    %swap3A_156 = vector.load %arg6[%swap3A_154, %swap3A_155] : memref<1x128xi32, #tpu.memory_space<vmem>>, vector<1x128xi32>
    tpu.vector_store %arg6[%swap3A_154, %swap3A_155], %convert_element_type3A_153 {strides = array<i32>} : memref<1x128xi32, #tpu.memory_space<vmem>>, vector<1x128xi32>,
    return
  }
}

module attributes {stable_mosaic.version = 14 : i64} {
  func.func @_gmm_kernel(%arg0: i32, %arg1: memref<15xi32, #tpu.memory_space<smem>>, %arg2: memref<15xi32, #tpu.memory_space<smem>>, %arg3: memref<512x768xf32, #tpu.memory_space<vmem>>, %arg4: memref<1x768x3072xbf16, #tpu.memory_space<vmem>>, %arg5: memref<1x1x3072xf32, #tpu.memory_space<vmem>>, %arg6: memref<1x3072x768xbf16, #tpu.memory_space<vmem>>, %arg7: memref<1x1x768xf32, #tpu.memory_space<vmem>>, %arg8: memref<512x768xf32, #tpu.memory_space<vmem>>) attributes {dimension_semantics = [#tpu.dimension_semantics<arbitrary>], iteration_bounds = array<i64: 15>, scalar_prefetch = 2 : i64, scratch_operands = 0 : i64, tpu.core_type = #tpu.core_type<tc>, window_params = [{transform_indices = @transform_0, window_bounds = array<i64: 512, 768>}, {transform_indices = @transform_1, window_bounds = array<i64: 1, 768, 3072>}, {transform_indices = @transform_2, window_bounds = array<i64: 1, 1, 3072>}, {transform_indices = @transform_3, window_bounds = array<i64: 1, 3072, 768>}, {transform_indices = @transform_4, window_bounds = array<i64: 1, 1, 768>}, {transform_indices = @transform_5, window_bounds = array<i64: 512, 768>}]} {
    %get3A = arith.index_cast %arg0 : i32 to index
    %get3A_0 = memref.load %arg2[%get3A] : memref<15xi32, #tpu.memory_space<smem>>
    %eq3A = arith.constant 1 : i32
    %eq3A_1 = arith.cmpi eq, %get3A_0, %eq3A : i32
    %convert_element_type3A = arith.extui %eq3A_1 : i1 to i32
    %cond3A = arith.constant 0 : i32
    %cond3A_2 = arith.cmpi ne, %convert_element_type3A, %cond3A : i32
    scf.if %cond3A_2 {
      %get3A_3 = arith.constant 0 : index
      %get3A_4 = arith.constant 0 : index
      %get3A_5 = vector.load %arg3[%get3A_3, %get3A_4] : memref<512x768xf32, #tpu.memory_space<vmem>>, vector<512x768xf32>
      %convert_element_type3A_6 = arith.truncf %get3A_5 : vector<512x768xf32> to vector<512x768xbf16>
      %get3A_7 = arith.constant 0 : index
      %get3A_8 = arith.constant 0 : index
      %get3A_9 = arith.constant 0 : index
      %get3A_10 = vector.load %arg4[%get3A_7, %get3A_8, %get3A_9] : memref<1x768x3072xbf16, #tpu.memory_space<vmem>>, vector<1x768x3072xbf16>
      %get3A_11 = vector.shape_cast %get3A_10 : vector<1x768x3072xbf16> to vector<768x3072xbf16>
      %dot_general3A = arith.constant dense<0.000000e+00> : vector<512x3072xf32>
      %dot_general3A_12 = tpu.matmul %convert_element_type3A_6, %get3A_11, %dot_general3A {dimension_numbers = #tpu.dot_dimension_numbers<[1], [0], [0], [1], [0, 0, 1, 1], [], []>, transpose_lhs_hint = false} : vector<512x768xbf16>, vector<768x3072xbf16>, vector<512x3072xf32> -> vector<512x3072xf32>
      %get3A_13 = arith.constant 0 : index
      %get3A_14 = arith.constant 0 : index
      %get3A_15 = arith.constant 0 : index
      %get3A_16 = vector.load %arg5[%get3A_13, %get3A_14, %get3A_15] : memref<1x1x3072xf32, #tpu.memory_space<vmem>>, vector<1x1x3072xf32>
      %get3A_17 = vector.shape_cast %get3A_16 : vector<1x1x3072xf32> to vector<1x3072xf32>
      %add3A = vector.broadcast %get3A_17 : vector<1x3072xf32> to vector<512x3072xf32>
      %add3A_18 = arith.addf %dot_general3A_12, %add3A : vector<512x3072xf32>
      %mul3A = arith.constant 5.000000e-01 : f32
      %mul3A_19 = vector.broadcast %mul3A : f32 to vector<512x3072xf32>
      %mul3A_20 = arith.mulf %add3A_18, %mul3A_19 : vector<512x3072xf32>
      %mul3A_21 = arith.constant 0.707106769 : f32
      %mul3A_22 = vector.broadcast %mul3A_21 : f32 to vector<512x3072xf32>
      %mul3A_23 = arith.mulf %add3A_18, %mul3A_22 : vector<512x3072xf32>
      %erf3A = math.erf %mul3A_23 : vector<512x3072xf32>
      %add3A_24 = arith.constant 1.000000e+00 : f32
      %add3A_25 = vector.broadcast %add3A_24 : f32 to vector<512x3072xf32>
      %add3A_26 = arith.addf %add3A_25, %erf3A : vector<512x3072xf32>
      %mul3A_27 = arith.mulf %mul3A_20, %add3A_26 : vector<512x3072xf32>
      %convert_element_type3A_28 = arith.truncf %mul3A_27 : vector<512x3072xf32> to vector<512x3072xbf16>
      %get3A_29 = arith.constant 0 : index
      %get3A_30 = arith.constant 0 : index
      %get3A_31 = arith.constant 0 : index
      %get3A_32 = vector.load %arg6[%get3A_29, %get3A_30, %get3A_31] : memref<1x3072x768xbf16, #tpu.memory_space<vmem>>, vector<1x3072x768xbf16>
      %get3A_33 = vector.shape_cast %get3A_32 : vector<1x3072x768xbf16> to vector<3072x768xbf16>
      %dot_general3A_34 = arith.constant dense<0.000000e+00> : vector<512x768xf32>
      %dot_general3A_35 = tpu.matmul %convert_element_type3A_28, %get3A_33, %dot_general3A_34 {dimension_numbers = #tpu.dot_dimension_numbers<[1], [0], [0], [1], [0, 0, 1, 1], [], []>, transpose_lhs_hint = false} : vector<512x3072xbf16>, vector<3072x768xbf16>, vector<512x768xf32> -> vector<512x768xf32>
      %get3A_36 = arith.constant 0 : index
      %get3A_37 = arith.constant 0 : index
      %get3A_38 = arith.constant 0 : index
      %get3A_39 = vector.load %arg7[%get3A_36, %get3A_37, %get3A_38] : memref<1x1x768xf32, #tpu.memory_space<vmem>>, vector<1x1x768xf32>
      %get3A_40 = vector.shape_cast %get3A_39 : vector<1x1x768xf32> to vector<1x768xf32>
      %add3A_41 = vector.broadcast %get3A_40 : vector<1x768xf32> to vector<512x768xf32>
      %add3A_42 = arith.addf %dot_general3A_35, %add3A_41 : vector<512x768xf32>
      %swap3A = arith.constant 0 : index
      %swap3A_43 = arith.constant 0 : index
      %swap3A_44 = vector.load %arg8[%swap3A, %swap3A_43] : memref<512x768xf32, #tpu.memory_space<vmem>>, vector<512x768xf32>
      tpu.vector_store %arg8[%swap3A, %swap3A_43], %add3A_42 {strides = array<i32>} : memref<512x768xf32, #tpu.memory_space<vmem>>, vector<512x768xf32>,
    } else {
    }
    return
  }
  func.func @transform_0(%arg0: i32, %arg1: memref<15xi32, #tpu.memory_space<smem>>, %arg2: memref<15xi32, #tpu.memory_space<smem>>) -> (i32, i32) {
    %c0_i32 = arith.constant 0 : i32
    %c0_i32_0 = arith.constant 0 : i32
    return %arg0, %c0_i32 : i32, i32
  }
  func.func @transform_1(%arg0: i32, %arg1: memref<15xi32, #tpu.memory_space<smem>>, %arg2: memref<15xi32, #tpu.memory_space<smem>>) -> (i32, i32, i32) {
    %get3A = arith.index_cast %arg0 : i32 to index
    %get3A_0 = memref.load %arg1[%get3A] : memref<15xi32, #tpu.memory_space<smem>>
    %c0_i32 = arith.constant 0 : i32
    %c0_i32_1 = arith.constant 0 : i32
    %c0_i32_2 = arith.constant 0 : i32
    return %get3A_0, %c0_i32, %c0_i32_1 : i32, i32, i32
  }
  func.func @transform_2(%arg0: i32, %arg1: memref<15xi32, #tpu.memory_space<smem>>, %arg2: memref<15xi32, #tpu.memory_space<smem>>) -> (i32, i32, i32) {
    %get3A = arith.index_cast %arg0 : i32 to index
    %get3A_0 = memref.load %arg1[%get3A] : memref<15xi32, #tpu.memory_space<smem>>
    %c0_i32 = arith.constant 0 : i32
    %c0_i32_1 = arith.constant 0 : i32
    %c0_i32_2 = arith.constant 0 : i32
    return %get3A_0, %c0_i32, %c0_i32_1 : i32, i32, i32
  }
  func.func @transform_3(%arg0: i32, %arg1: memref<15xi32, #tpu.memory_space<smem>>, %arg2: memref<15xi32, #tpu.memory_space<smem>>) -> (i32, i32, i32) {
    %get3A = arith.index_cast %arg0 : i32 to index
    %get3A_0 = memref.load %arg1[%get3A] : memref<15xi32, #tpu.memory_space<smem>>
    %c0_i32 = arith.constant 0 : i32
    %c0_i32_1 = arith.constant 0 : i32
    %c0_i32_2 = arith.constant 0 : i32
    return %get3A_0, %c0_i32, %c0_i32_1 : i32, i32, i32
  }
  func.func @transform_4(%arg0: i32, %arg1: memref<15xi32, #tpu.memory_space<smem>>, %arg2: memref<15xi32, #tpu.memory_space<smem>>) -> (i32, i32, i32) {
    %get3A = arith.index_cast %arg0 : i32 to index
    %get3A_0 = memref.load %arg1[%get3A] : memref<15xi32, #tpu.memory_space<smem>>
    %c0_i32 = arith.constant 0 : i32
    %c0_i32_1 = arith.constant 0 : i32
    %c0_i32_2 = arith.constant 0 : i32
    return %get3A_0, %c0_i32, %c0_i32_1 : i32, i32, i32
  }
  func.func @transform_5(%arg0: i32, %arg1: memref<15xi32, #tpu.memory_space<smem>>, %arg2: memref<15xi32, #tpu.memory_space<smem>>) -> (i32, i32) {
    %c0_i32 = arith.constant 0 : i32
    %c0_i32_0 = arith.constant 0 : i32
    return %arg0, %c0_i32 : i32, i32
  }
}

module attributes {stable_mosaic.version = 14 : i64} {
  func.func @_combine_kernel(%arg0: memref<4096x768xf32, #tpu.memory_space<vmem>>, %arg1: memref<2048x128xf32, #tpu.memory_space<vmem>>, %arg2: memref<2048x768xf32, #tpu.memory_space<vmem>>) attributes {dimension_semantics = [], scalar_prefetch = 0 : i64, scratch_operands = 0 : i64, tpu.core_type = #tpu.core_type<tc>} {
    %iota3A = tpu.iota {dimensions = array<i32: 1>} : vector<2048x128xi32>
    %eq3A = arith.constant 0 : i32
    %eq3A_0 = vector.broadcast %eq3A : i32 to vector<2048x128xi32>
    %eq3A_1 = arith.cmpi eq, %iota3A, %eq3A_0 : vector<2048x128xi32>
    %get3A = arith.constant 0 : index
    %get3A_2 = arith.constant 0 : index
    %get3A_3 = vector.load %arg1[%get3A, %get3A_2] : memref<2048x128xf32, #tpu.memory_space<vmem>>, vector<2048x128xf32>
    %jit3A = arith.constant 0.000000e+00 : f32
    %broadcast_in_dim3A = vector.broadcast %jit3A : f32 to vector<2048x128xf32>
    %select_n3A = arith.select %eq3A_1, %get3A_3, %broadcast_in_dim3A : vector<2048x128xi1>, vector<2048x128xf32>
    %reduce_sum3A = arith.constant dense<0.000000e+00> : vector<2048xf32>
    %reduce_sum3A_4 = vector.multi_reduction <add>, %select_n3A, %reduce_sum3A [1] : vector<2048x128xf32> to vector<2048xf32>
    %broadcast_in_dim3A_5 = vector.shape_cast %reduce_sum3A_4 : vector<2048xf32> to vector<2048x1xf32>
    %eq3A_6 = arith.constant 1 : i32
    %eq3A_7 = vector.broadcast %eq3A_6 : i32 to vector<2048x128xi32>
    %eq3A_8 = arith.cmpi eq, %iota3A, %eq3A_7 : vector<2048x128xi32>
    %get3A_9 = arith.constant 0 : index
    %get3A_10 = arith.constant 0 : index
    %get3A_11 = vector.load %arg1[%get3A_9, %get3A_10] : memref<2048x128xf32, #tpu.memory_space<vmem>>, vector<2048x128xf32>
    %jit3A_12 = arith.constant 0.000000e+00 : f32
    %broadcast_in_dim3A_13 = vector.broadcast %jit3A_12 : f32 to vector<2048x128xf32>
    %select_n3A_14 = arith.select %eq3A_8, %get3A_11, %broadcast_in_dim3A_13 : vector<2048x128xi1>, vector<2048x128xf32>
    %reduce_sum3A_15 = arith.constant dense<0.000000e+00> : vector<2048xf32>
    %reduce_sum3A_16 = vector.multi_reduction <add>, %select_n3A_14, %reduce_sum3A_15 [1] : vector<2048x128xf32> to vector<2048xf32>
    %broadcast_in_dim3A_17 = vector.shape_cast %reduce_sum3A_16 : vector<2048xf32> to vector<2048x1xf32>
    %get3A_18 = arith.constant 0 : index
    %get3A_19 = arith.constant 0 : index
    %get3A_20 = vector.load %arg0[%get3A_18, %get3A_19] : memref<4096x768xf32, #tpu.memory_space<vmem>>, vector<2048x768xf32>
    %mul3A = vector.broadcast %broadcast_in_dim3A_5 : vector<2048x1xf32> to vector<2048x768xf32>
    %mul3A_21 = arith.mulf %mul3A, %get3A_20 : vector<2048x768xf32>
    %get3A_22 = arith.constant 2048 : index
    %get3A_23 = arith.constant 0 : index
    %get3A_24 = vector.load %arg0[%get3A_22, %get3A_23] : memref<4096x768xf32, #tpu.memory_space<vmem>>, vector<2048x768xf32>
    %mul3A_25 = vector.broadcast %broadcast_in_dim3A_17 : vector<2048x1xf32> to vector<2048x768xf32>
    %mul3A_26 = arith.mulf %mul3A_25, %get3A_24 : vector<2048x768xf32>
    %add3A = arith.addf %mul3A_21, %mul3A_26 : vector<2048x768xf32>
    %swap3A = arith.constant 0 : index
    %swap3A_27 = arith.constant 0 : index
    %swap3A_28 = vector.load %arg2[%swap3A, %swap3A_27] : memref<2048x768xf32, #tpu.memory_space<vmem>>, vector<2048x768xf32>
    tpu.vector_store %arg2[%swap3A, %swap3A_27], %add3A {strides = array<i32>} : memref<2048x768xf32, #tpu.memory_space<vmem>>, vector<2048x768xf32>,
    return
  }
}

</mosaic_0001>

<sc_bundles>
// kernel: kernel.10.cloned.1.call-start
scs
__scs_entry_jumppad:
0x0: {  	(pc) =	sbr.rel $0x88, $3  }
0x1: {  	(tag) =	ssettag $0x0;
	lr =	simm.s32 $0x1  }
0x2: {  	[smem:$0x3F9A] =	sst lr;
	_ =	strace $0xD0000000  }
0x3: {  	_ = 	snop  }
0x4: {  	_ = 	snop  }
0x5: {  	_ = 	snop  }
0x6: {  	_ = 	snop  }
0x7: {  	_ = 	snop  }
__scs_overlays_trampoline_lowered:
0x8: {  	[smem:$0x3FA9] =	sst s0  }
0x9: {  	[smem:$0x3FAA] =	sst s1  }
0xa: {  	[smem:$0x3FAB] =	sst s2  }
0xb: {  	[smem:$0x3FAC] =	sst s3  }
0xc: {  	[smem:$0x3FAD] =	sst s4  }
0xd: {  	[smem:$0x3FAE] =	sst s5  }
0xe: {  	[smem:$0x3FAF] =	sst s6  }
0xf: {  	[smem:$0x3FB0] =	sst s7  }
0x10: {  	[smem:$0x3FB1] =	sst s8  }
0x11: {  	[smem:$0x3FB2] =	sst s9;
	s0 =	simm.s32 @!p0 $0x0  }
0x12: {  	s1 =	sld [smem:$0x3F98];
	s0 =	simm.s32 @p0 $0x1  }
0x13: {  	[smem:$0x3FB3] =	sst s0;
	s0 =	simm.s32 @!p1 $0x0  }
0x14: {  	s2 =	sld [smem:$0x3F97];
	s0 =	simm.s32 @p1 $0x1  }
0x15: {  	[smem:$0x3FB4] =	sst s0;
	s0 =	simm.s32 @!p2 $0x0  }
0x16: {  	s3 =	sld [smem:$0x3FDB];
	s0 =	simm.s32 @p2 $0x1  }
0x17: {  	s4 =	simm.s32 $0x1BF5;
	[smem:$0x3FB6] =	sst s0  }
0x18: {  	s0 =	sld [smem:$0x3F99];
	_ =	swait.ge [sflag:s4], $0x0  }
0x19: {  	s7 =	sld [smem:$0x3F9A]  }
0x1a: {  	s8 =	sadd.s32 $0xFFFFE003, lr  }
0x1b: {  	s9 =	sadd.s32 $0xFFFFFEF7, lr;
	s5 =	simm.s32 $0xFFFFFFFF;
	p2 =	slt.u32 s8, $0xFFFFF086  }
0x1c: {  	p1 =	slt.u32 s9, $0xF7A;
	s5 =	simm.s32 @!p2 $0x0  }
0x1d: {  	s5 =	simm.s32 @p1 $0x1;
	p0 =	seq.s32 s7, s2  }
0x1e: {  	s7 =	smul.u32 @!p0 $0xF7A, s2;
	p2 =	seq.s32 @!p0 s5, $0x0  }
0x1f: {  	s9 =	smul.u32 $0xF7A, s1;
	s8 =	simm.s32 @!p0 $0x1BF5;
	p2 =	por !p2, p0  }
0x20: {  	[sflag:s8] =	ssyncset.s32 @!p0 $0xFFFFF086;
	s6 =	sadd.s32 @!p0 s3, s7;
	s7 =	simm.s32 @!p0 $0x108  }
0x21: {  	s3 =	sadd.s32 s3, s9;
	s6 =	sadd.s32 @!p0 $0x88, s6;
	s7 =	simm.s32 @p2 $0x1082  }
0x22: {  	[simem:s7], [sflag:s8] =	dma.local @!p0 [hbm:s6], $0xF7A  }
0x23: {  	s9 =	sor.u32 $0xD0000000, s2;
	s6 =	simm.s32 $0x108;
	_ =	swait.ge @!p0 [sflag:s8], $0x0  }
0x24: {  	s3 =	sadd.s32 $0x88, s3;
	s6 =	simm.s32 @!p1 $0x1082;
	[sflag:s4] =	ssyncset.s32 $0xFFFFF086  }
0x25: {  	[simem:s6], [sflag:s4] =	dma.local [hbm:s3], $0xF7A  }
0x26: {  	[smem:$0x3F9A] =	sst s1;
	(tag) =	ssettag s2;
	_ =	strace s9  }
0x27: {  	s1 =	sld [smem:$0x3FAA]  }
0x28: {  	s2 =	sld [smem:$0x3FAB]  }
0x29: {  	s4 =	sld [smem:$0x3FAD]  }
0x2a: {  	p0 =	seq.s32 s5, $0x0;
	s5 =	sld [smem:$0x3FAE]  }
0x2b: {  	s6 =	sld [smem:$0x3FAF]  }
0x2c: {  	s7 =	sld [smem:$0x3FB0]  }
0x2d: {  	s3 =	simm.s32 $0x108;
	s8 =	sld [smem:$0x3FB1]  }
0x2e: {  	s3 =	simm.s32 @!p0 $0x1082;
	s9 =	sld [smem:$0x3FB2]  }
0x2f: {  	lr =	sadd.s32 s0, s3;
	s0 =	sld [smem:$0x3FA9]  }
0x30: {  	s3 =	sld [smem:$0x3FAC]  }
0x31: {  	[smem:$0x3FB5] =	sst s10  }
0x32: {  	s10 =	sld [smem:$0x3FB3];
	_ =	sdelay $0x3  }
0x33: {  	p0 =	seq.s32 s10, $0x1;
	s10 =	sld [smem:$0x3FB5];
	_ =	sdelay $0x3  }
0x34: {  	[smem:$0x3FB5] =	sst s10  }
0x35: {  	s10 =	sld [smem:$0x3FB4];
	_ =	sdelay $0x3  }
0x36: {  	p1 =	seq.s32 s10, $0x1;
	s10 =	sld [smem:$0x3FB5];
	_ =	sdelay $0x3  }
0x37: {  	[smem:$0x3FB5] =	sst s10  }
0x38: {  	s10 =	sld [smem:$0x3FB6]  }
0x39: {  	_ = 	snop;
	(pc) =	sbr.ind lr, $3  }
0x3a: {  	_ = 	snop  }
0x3b: {  	_ = 	snop  }
0x3c: {  	p2 =	seq.s32 s10, $0x1;
	s10 =	sld [smem:$0x3FB5]  }
0x3d: {  	_ =	shalt  }
0x3e: {  	_ =	shalt  }
0x3f: {  	_ =	shalt  }
0x40: {  	_ =	shalt  }
0x41: {  	_ =	shalt  }
0x42: {  	_ =	shalt  }
0x43: {  	_ =	shalt  }
0x44: {  	_ =	shalt  }
0x45: {  	_ =	shalt  }
0x46: {  	_ =	shalt  }
0x47: {  	_ =	shalt  }
0x48: {  	_ =	shalt  }
0x49: {  	_ =	shalt  }
0x4a: {  	_ =	shalt  }
0x4b: {  	_ =	shalt  }
0x4c: {  	_ =	shalt  }
0x4d: {  	_ =	shalt  }
0x4e: {  	_ =	shalt  }
0x4f: {  	_ =	shalt  }
0x50: {  	_ =	shalt  }
0x51: {  	_ =	shalt  }
0x52: {  	_ =	shalt  }
0x53: {  	_ =	shalt  }
0x54: {  	_ =	shalt  }
0x55: {  	_ =	shalt  }
0x56: {  	_ =	shalt  }
0x57: {  	_ =	shalt  }
0x58: {  	_ =	shalt  }
0x59: {  	_ =	shalt  }
0x5a: {  	_ =	shalt  }
0x5b: {  	_ =	shalt  }
0x5c: {  	_ =	shalt  }
0x5d: {  	_ =	shalt  }
0x5e: {  	_ =	shalt  }
0x5f: {  	_ =	shalt  }
0x60: {  	_ =	shalt  }
0x61: {  	_ =	shalt  }
0x62: {  	_ =	shalt  }
0x63: {  	_ =	shalt  }
0x64: {  	_ =	shalt  }
0x65: {  	_ =	shalt  }
0x66: {  	_ =	shalt  }
0x67: {  	_ =	shalt  }
0x68: {  	_ =	shalt  }
0x69: {  	_ =	shalt  }
0x6a: {  	_ =	shalt  }
0x6b: {  	_ =	shalt  }
0x6c: {  	_ =	shalt  }
0x6d: {  	_ =	shalt  }
0x6e: {  	_ =	shalt  }
0x6f: {  	_ =	shalt  }
0x70: {  	_ =	shalt  }
0x71: {  	_ =	shalt  }
0x72: {  	_ =	shalt  }
0x73: {  	_ =	shalt  }
0x74: {  	_ =	shalt  }
0x75: {  	_ =	shalt  }
0x76: {  	_ =	shalt  }
0x77: {  	_ =	shalt  }
0x78: {  	_ =	shalt  }
0x79: {  	_ =	shalt  }
0x7a: {  	_ =	shalt  }
0x7b: {  	_ =	shalt  }
0x7c: {  	_ =	shalt  }
0x7d: {  	_ =	shalt  }
0x7e: {  	_ =	shalt  }
0x7f: {  	_ =	shalt  }
0x80: {  	_ =	shalt  }
0x81: {  	_ =	shalt  }
0x82: {  	_ =	shalt  }
0x83: {  	_ =	shalt  }
0x84: {  	_ =	shalt  }
0x85: {  	_ =	shalt  }
0x86: {  	_ =	shalt  }
0x87: {  	_ =	shalt  }
.Lfunc_end0:
.L_simem_size_0:
called_computation.1_lowered:
.L_overlay_start_0:
0x88: {  	s2 =	sld [smem:$0x3FD9]  }
0x89: {  	s3 =	sld [smem:$0x3FFE];
	_ =	sdelay $0x1  }
0x8a: {  	s1 =	srdreg.scid  }
0x8b: {  	s0 =	sand.u32 $0x1, s1  }
0x8c: {  	s16 =	sshll.u32 s0, $0xA;
	s2 =	sadd.s32 s3, s2  }
0x8d: {  	s2 =	sadd.s32 s2, s16  }
0x8e: {  	[smem:$0x3FC1] =	sst s2  }
0x8f: {  	_ = 	snop  }
0x90: {  	(tm) =	ssettm $0x1  }
0x91: {  	s17 =	sld [smem:$0x3FFB];
	_ =	sdelay $0x3  }
0x92: {  	_ =	strace s17  }
0x93: {  	s2 =	sld [smem:$0x3FFC];
	_ =	sdelay $0x3  }
0x94: {  	_ =	strace s2  }
0x95: {  	s2 =	sld [smem:$0x3FFD];
	_ =	sdelay $0x3  }
0x96: {  	_ =	strace s2  }
0x97: {  	_ =	strace $0x8FFFFFFF  }
0x98: {  	s18 =	sld [smem:$0x3FDB];
	_ =	sdelay $0x1  }
0x99: {  	s19 =	simm.s32 $_scs_section_size  }
0x9a: {  	s4 =	simm.s32 $_size__tile_overlayer_lowered;
	s5 =	simm.s32 $_tile_overlayer_lowered  }
0x9b: {  	s22 =	simm.s32 $0x1BFF;
	s21 =	sshll.u32 s5, $0x1;
	s2 =	sadd.s32 s19, s18  }
0x9c: {  	s6 =	simm.s32 $0x0;
	s20 =	sshll.u32 s4, $0x1;
	s4 =	sadd.s32 s21, s2  }
0x9d: {  	[timem:s6], [sflag:s22] =	dma.local [hbm:s4], s20  }
0x9e: {  	_ =	swait.ge [sflag:s22], s20  }
0x9f: {  	s3 =	ssub.s32 $0x0, s20;
	[sflag:s22] =	ssyncset.done $0x0  }
0xa0: {  	[sflag:s22] =	ssyncadd.s32 s3;
	_ =	sdelay $0x1  }
0xa1: {  	s23 =	simm.s32 $0x1B8B  }
0xa2: {  	_ =	swait.ge [sflag:s23], $0x1  }
0xa3: {  	[sflag:s23] =	ssyncset.done $0x0  }
0xa4: {  	s25 =	simm.s32 $0x1B8E;
	s24 =	sld [smem:$0x3FFE];
	[sflag:s23] =	ssyncadd.s32 $0xFFFFFFFF  }
0xa5: {  	s26 =	simm.s32 $execute0_lowered;
	[smem:$0x3FD2] =	sst s25  }
0xa6: {  	s4 =	sshll.u32 s26, $0x1;
	_ =	strace $0x80000049;
	[dreg:$0x1] =	wrdreg $0xFFFFFFFF  }
0xa7: {  	s28 =	simm.s32 $_size_execute0_lowered;
	s2 =	sadd.s32 s2, s4;
	[dreg:$0x0] =	wrdreg $0x0  }
0xa8: {  	s4 =	sshll.u32 s28, $0x1;
	[dreg:$0x2] =	wrdreg s2  }
0xa9: {  	[dreg:$0x3] =	wrdreg s4  }
0xaa: {  	[dreg:$0x4] =	wrdreg $0xC0  }
0xab: {  	_ =	task [dreg:s6], $0x5FFFF  }
0xac: {  	[dreg:$0x1] =	wrdreg $0xFFFFFFFF  }
0xad: {  	[dreg:$0x0] =	wrdreg $0x60  }
0xae: {  	[dreg:$0x2] =	wrdreg s24  }
0xaf: {  	[dreg:$0x3] =	wrdreg $0x9  }
0xb0: {  	_ =	task.clear_ibuf [dreg:s6], $0x4FFFF;
	_ =	strace $0x90000049  }
0xb1: {  	s29 =	simm.s32 $0x9;
	_ =	strace $0x8000004B  }
0xb2: {  	_ =	swait.ge [sflag:s29], $0x1  }
0xb3: {  	[sflag:s29] =	ssyncadd.s32 $0xFFFFFFFF  }
0xb4: {  	_ =	strace $0x9000004B  }
0xb5: {  	_ =	sfence  }
0xb6: {  	s30 =	sld [smem:$0x0];
	_ =	sdelay $0x2  }
0xb7: {  	s31 =	sshll.u32 s1, $0xD;
	s1 =	sshrl.u32 s1, $0x2  }
0xb8: {  	s3 =	sand.u32 $0x4000, s31;
	s1 =	sadd.s32 s1, s30  }
0xb9: {  	s0 =	sor.u32 s3, s0;
	s1 =	sshll.u32 s1, $0x11  }
0xba: {  	s0 =	sor.u32 s1, s0  }
0xbb: {  	s0 =	sadd.s32 $0x8F2B, s0  }
0xbc: {  	[sflag:s0] =	ssyncadd.remote.s32 $0x1  }
0xbd: {  	_ =	sfence.sel $0xFFFF  }
0xbe: {  	[dreg:$0x0] =	wrdreg $0xFFFFFFFF;
	(pc) =	sbr.abs _section_cstart, $3  }
0xbf: {  	[dreg:$0x1] =	wrdreg $0xFFFFFFFF  }
0xc0: {  	_ =	task.clear_ibuf [dreg:s6], $0x2FFFF;
	_ =	strace $0x9FFFFFFF  }
0xc1: {  	(tm) =	ssettm $0x7FFFFFFF  }
tec
execute0_lowered:
.L_overlay_start_1:
0x0: {  	(tag) =	ssettag $0x1  }
0x1: {  	s1 =	srdreg.scid  }
0x2: {  	s0 =	stileid.u32;
	s1 =	sand.u32 $0x1, s1  }
0x3: {  	s2 =	sshll.u32 s0, $0x5;
	s3 =	sshll.u32 s1, $0x4  }
0x4: {  	s5 =	rddreg [dreg:$0x0];
	s3 =	sor.u32 s3, s2;
	s2 =	simm.s32 $0x0  }
0x5: {  	s26 =	simm.s32 $0x880;
	[smem:$0x7FF] =	sst s2  }
0x6: {  	s0 =	simm.s32 $0x1080;
	_ =	strace $0x8000004A;
	[dreg:$0x4] =	wrdreg s26  }
0x7: {  	s6 =	simm.s32 $0x2080;
	[dreg:$0x5] =	wrdreg s0  }
0x8: {  	s7 =	simm.s32 $0x2880;
	[dreg:$0x7] =	wrdreg s6  }
0x9: {  	s8 =	simm.s32 $0x3080;
	[dreg:$0x8] =	wrdreg s7  }
0xa: {  	s9 =	simm.s32 $0x3880;
	[dreg:$0x9] =	wrdreg s8  }
0xb: {  	s10 =	simm.s32 $0x4080;
	[dreg:$0xa] =	wrdreg s9  }
0xc: {  	s11 =	simm.s32 $0x4880;
	[dreg:$0xb] =	wrdreg s10  }
0xd: {  	s12 =	simm.s32 $0x5080;
	[dreg:$0xc] =	wrdreg s11  }
0xe: {  	s13 =	simm.s32 $0x5880;
	[dreg:$0xd] =	wrdreg s12  }
0xf: {  	s14 =	simm.s32 $0x6080;
	[dreg:$0xe] =	wrdreg s13  }
0x10: {  	s15 =	simm.s32 $0x6880;
	[dreg:$0xf] =	wrdreg s14  }
0x11: {  	s16 =	simm.s32 $0x7080;
	[dreg:$0x10] =	wrdreg s15  }
0x12: {  	s17 =	simm.s32 $0x7880;
	s18 =	simm.s32 $0x8080;
	[dreg:$0x11] =	wrdreg s16  }
0x13: {  	s19 =	simm.s32 $0x8880;
	s20 =	simm.s32 $0x9080;
	[dreg:$0x12] =	wrdreg s17  }
0x14: {  	s21 =	simm.s32 $0x9880;
	s22 =	simm.s32 $0xA080;
	[dreg:$0x13] =	wrdreg s18  }
0x15: {  	s23 =	simm.s32 $0xA880;
	s24 =	simm.s32 $0xB880;
	[dreg:$0x14] =	wrdreg s19  }
0x16: {  	s28 =	simm.s32 $0x16080;
	s29 =	simm.s32 $0x16880;
	[dreg:$0x15] =	wrdreg s20  }
0x17: {  	s30 =	simm.s32 $0x17080;
	s31 =	simm.s32 $0x17880;
	[dreg:$0x16] =	wrdreg s21  }
0x18: {  	s4 =	smul.u32 $0x300, s3;
	s3 =	sadd.s32 s3, s5;
	[dreg:$0x17] =	wrdreg s22  }
0x19: {  	s1 =	ssub.s32 $0x2, s1;
	s3 =	sadd.s32 $0xE00, s3;
	[dreg:$0x18] =	wrdreg s23  }
0x1a: {  	s6 =	sshrl.u32 s1, $0x1;
	s7 =	simm.s32 $0xB080;
	[dreg:$0x1a] =	wrdreg s24  }
0x1b: {  	s8 =	simm.s32 $0x80;
	s26 =	simm.s32 $0xC880;
	s10 =	simm.s32 $0xD880  }
0x1c: {  	s11 =	simm.s32 $0xE080;
	s12 =	simm.s32 $0xE880;
	s13 =	simm.s32 $0xF080  }
0x1d: {  	s14 =	simm.s32 $0xF880;
	s15 =	simm.s32 $0x10080;
	s16 =	simm.s32 $0x10880  }
0x1e: {  	s17 =	simm.s32 $0x11080;
	s18 =	simm.s32 $0x11880;
	s19 =	simm.s32 $0x12080  }
0x1f: {  	s20 =	simm.s32 $0x12880;
	s21 =	simm.s32 $0x13080;
	s22 =	simm.s32 $0x13880  }
0x20: {  	s23 =	simm.s32 $0x14080;
	s24 =	simm.s32 $0x14880;
	[dreg:$0x2] =	wrdreg s3  }
0x21: {  	s4 =	sadd.s32 s4, s5;
	s3 =	sadd.s32 $0x2F5000, s5;
	[dreg:$0x19] =	wrdreg s7  }
0x22: {  	s1 =	ssub.s32 s1, s6;
	s7 =	simm.s32 $0x2;
	[dreg:$0x1c] =	wrdreg s26  }
0x23: {  	s26 =	simm.s32 $0x15880;
	s25 =	sadd.s32 $0x1000, s4;
	s4 =	simm.s32 $0x1880  }
0x24: {  	v2 =	vlaneseq.u32;
	s6 =	smax.u32 s1, $0x1;
	s1 =	simm.s32 $0x1;
	[dreg:$0x3] =	wrdreg s25  }
0x25: {  	vm0 =	vmmov $0xffff;
	v1 =	vshrl.u32 v2, $0x3;
	[dreg:$0x6] =	wrdreg s4;
	s4 =	sadd.s32 $0x2F5100, s5;
	s25 =	simm.s32 $0xC080  }
0x26: {  	v0 =	vand.u32 $0x7, v2;
	v2 =	vor.u32 $0x8, v2;
	v1 =	vmul.u32 $0x8, v1;
	s5 =	sadd.s32 $0x2F5200, s5;
	[dreg:$0x1b] =	wrdreg s25;
	s25 =	simm.s32 $0x15080  }
.LBB2_1:
0x27: {  	s0 =	rddreg [dreg:$0x2]  }
0x28: {  	[tilespmem:s2], [sflag:$0x2] =	stream.linear.gather [hbm4b:s0+s2], $0x80, $0x38;
	[tilespmem:$0x18080] =	vst v63  }
0x29: {  	_ =	swait.ge [sflag:s7], $0x80  }
0x2a: {  	[sflag:s7] =	ssyncset.done $0x0  }
0x2b: {  	[sflag:s7] =	ssyncadd.s32 $0xFFFFFF80  }
0x2c: {  	v3 =	vld [tilespmem:$0x0];
	_ =	sdelay $0x4  }
0x2d: {  	v4 =	vshrl.u32 v3, $0x3  }
0x2e: {  	v4 =	vmul.u32 $0x30, v4  }
0x2f: {  	v3 =	vand.u32 $0x7, v3  }
0x30: {  	v3 =	vor.u32 v3, v4  }
0x31: {  	v4 =	vperm.xlane v3, v0;
	_ =	sdelay $0x1  }
0x32: {  	v4 =	vadd.s32 v1, v4;
	_ =	sdelay $0x3  }
0x33: {  	v3 =	vperm.xlane v3, v2  }
0x34: {  	[tilespmem:s8], [sflag:$0x1] =	stream.indirect_vreg.gather [hbm4b:s3+s2], $0x80, v4, vm0, $0xb8;
	[tilespmem:$0x18080] =	vst v63  }
0x35: {  	s0 =	rddreg [dreg:$0x4];
	v3 =	vadd.s32 v1, v3  }
0x36: {  	[tilespmem:s0], [sflag:$0x1] =	stream.indirect_vreg.gather [hbm4b:s4+s2], $0x80, v4, vm0, $0xb8;
	[tilespmem:$0x18080] =	vst v63  }
0x37: {  	s9 =	rddreg [dreg:$0x5]  }
0x38: {  	[tilespmem:s9], [sflag:$0x1] =	stream.indirect_vreg.gather [hbm4b:s5+s2], $0x80, v4, vm0, $0xb8;
	[tilespmem:$0x18080] =	vst v63  }
0x39: {  	s0 =	rddreg [dreg:$0x6]  }
0x3a: {  	[tilespmem:s0], [sflag:$0x1] =	stream.indirect_vreg.gather [hbm4b:s3+s2], $0x80, v3, vm0, $0xb8;
	[tilespmem:$0x18080] =	vst v63  }
0x3b: {  	s9 =	rddreg [dreg:$0x7]  }
0x3c: {  	[tilespmem:s9], [sflag:$0x1] =	stream.indirect_vreg.gather [hbm4b:s4+s2], $0x80, v3, vm0, $0xb8;
	[tilespmem:$0x18080] =	vst v63  }
0x3d: {  	s0 =	rddreg [dreg:$0x8]  }
0x3e: {  	[tilespmem:s0], [sflag:$0x1] =	stream.indirect_vreg.gather [hbm4b:s5+s2], $0x80, v3, vm0, $0xb8;
	[tilespmem:$0x18080] =	vst v63  }
0x3f: {  	v3 =	vld [tilespmem:$0x10];
	_ =	sdelay $0x4  }
0x40: {  	v57 =	vshrl.u32 v3, $0x3  }
0x41: {  	v4 =	vmul.u32 $0x30, v57  }
0x42: {  	v3 =	vand.u32 $0x7, v3  }
0x43: {  	v3 =	vor.u32 v3, v4  }
0x44: {  	v4 =	vperm.xlane v3, v0;
	_ =	sdelay $0x1  }
0x45: {  	v4 =	vadd.s32 v1, v4;
	_ =	sdelay $0x3  }
0x46: {  	s0 =	rddreg [dreg:$0x9];
	v3 =	vperm.xlane v3, v2  }
0x47: {  	[tilespmem:s0], [sflag:$0x1] =	stream.indirect_vreg.gather [hbm4b:s3+s2], $0x80, v4, vm0, $0xb8;
	[tilespmem:$0x18080] =	vst v63  }
0x48: {  	s9 =	rddreg [dreg:$0xa];
	v3 =	vadd.s32 v1, v3  }
0x49: {  	[tilespmem:s9], [sflag:$0x1] =	stream.indirect_vreg.gather [hbm4b:s4+s2], $0x80, v4, vm0, $0xb8;
	[tilespmem:$0x18080] =	vst v63  }
0x4a: {  	s0 =	rddreg [dreg:$0xb]  }
0x4b: {  	[tilespmem:s0], [sflag:$0x1] =	stream.indirect_vreg.gather [hbm4b:s5+s2], $0x80, v4, vm0, $0xb8;
	[tilespmem:$0x18080] =	vst v63  }
0x4c: {  	s9 =	rddreg [dreg:$0xc]  }
0x4d: {  	[tilespmem:s9], [sflag:$0x1] =	stream.indirect_vreg.gather [hbm4b:s3+s2], $0x80, v3, vm0, $0xb8;
	[tilespmem:$0x18080] =	vst v63  }
0x4e: {  	s0 =	rddreg [dreg:$0xd]  }
0x4f: {  	[tilespmem:s0], [sflag:$0x1] =	stream.indirect_vreg.gather [hbm4b:s4+s2], $0x80, v3, vm0, $0xb8;
	[tilespmem:$0x18080] =	vst v63  }
0x50: {  	s9 =	rddreg [dreg:$0xe]  }
0x51: {  	[tilespmem:s9], [sflag:$0x1] =	stream.indirect_vreg.gather [hbm4b:s5+s2], $0x80, v3, vm0, $0xb8;
	[tilespmem:$0x18080] =	vst v63  }
0x52: {  	v3 =	vld [tilespmem:$0x20];
	_ =	sdelay $0x4  }
0x53: {  	v58 =	vshrl.u32 v3, $0x3  }
0x54: {  	v4 =	vmul.u32 $0x30, v58  }
0x55: {  	v3 =	vand.u32 $0x7, v3  }
0x56: {  	v3 =	vor.u32 v3, v4  }
0x57: {  	v4 =	vperm.xlane v3, v0;
	_ =	sdelay $0x1  }
0x58: {  	v4 =	vadd.s32 v1, v4;
	_ =	sdelay $0x3  }
0x59: {  	s0 =	rddreg [dreg:$0xf];
	v3 =	vperm.xlane v3, v2  }
0x5a: {  	[tilespmem:s0], [sflag:$0x1] =	stream.indirect_vreg.gather [hbm4b:s3+s2], $0x80, v4, vm0, $0xb8;
	[tilespmem:$0x18080] =	vst v63  }
0x5b: {  	s9 =	rddreg [dreg:$0x10];
	v3 =	vadd.s32 v1, v3  }
0x5c: {  	[tilespmem:s9], [sflag:$0x1] =	stream.indirect_vreg.gather [hbm4b:s4+s2], $0x80, v4, vm0, $0xb8;
	[tilespmem:$0x18080] =	vst v63  }
0x5d: {  	s0 =	rddreg [dreg:$0x11]  }
0x5e: {  	[tilespmem:s0], [sflag:$0x1] =	stream.indirect_vreg.gather [hbm4b:s5+s2], $0x80, v4, vm0, $0xb8;
	[tilespmem:$0x18080] =	vst v63  }
0x5f: {  	s9 =	rddreg [dreg:$0x12]  }
0x60: {  	[tilespmem:s9], [sflag:$0x1] =	stream.indirect_vreg.gather [hbm4b:s3+s2], $0x80, v3, vm0, $0xb8;
	[tilespmem:$0x18080] =	vst v63  }
0x61: {  	s0 =	rddreg [dreg:$0x13]  }
0x62: {  	[tilespmem:s0], [sflag:$0x1] =	stream.indirect_vreg.gather [hbm4b:s4+s2], $0x80, v3, vm0, $0xb8;
	[tilespmem:$0x18080] =	vst v63  }
0x63: {  	s9 =	rddreg [dreg:$0x14]  }
0x64: {  	[tilespmem:s9], [sflag:$0x1] =	stream.indirect_vreg.gather [hbm4b:s5+s2], $0x80, v3, vm0, $0xb8;
	[tilespmem:$0x18080] =	vst v63  }
0x65: {  	v3 =	vld [tilespmem:$0x30];
	_ =	sdelay $0x4  }
0x66: {  	v59 =	vshrl.u32 v3, $0x3  }
0x67: {  	v4 =	vmul.u32 $0x30, v59  }
0x68: {  	v3 =	vand.u32 $0x7, v3  }
0x69: {  	v3 =	vor.u32 v3, v4  }
0x6a: {  	v4 =	vperm.xlane v3, v0;
	_ =	sdelay $0x1  }
0x6b: {  	v4 =	vadd.s32 v1, v4;
	_ =	sdelay $0x3  }
0x6c: {  	s0 =	rddreg [dreg:$0x15];
	v3 =	vperm.xlane v3, v2  }
0x6d: {  	[tilespmem:s0], [sflag:$0x1] =	stream.indirect_vreg.gather [hbm4b:s3+s2], $0x80, v4, vm0, $0xb8;
	[tilespmem:$0x18080] =	vst v63  }
0x6e: {  	s9 =	rddreg [dreg:$0x16];
	v3 =	vadd.s32 v1, v3  }
0x6f: {  	[tilespmem:s9], [sflag:$0x1] =	stream.indirect_vreg.gather [hbm4b:s4+s2], $0x80, v4, vm0, $0xb8;
	[tilespmem:$0x18080] =	vst v63  }
0x70: {  	s0 =	rddreg [dreg:$0x17]  }
0x71: {  	[tilespmem:s0], [sflag:$0x1] =	stream.indirect_vreg.gather [hbm4b:s5+s2], $0x80, v4, vm0, $0xb8;
	[tilespmem:$0x18080] =	vst v63  }
0x72: {  	s9 =	rddreg [dreg:$0x18]  }
0x73: {  	[tilespmem:s9], [sflag:$0x1] =	stream.indirect_vreg.gather [hbm4b:s3+s2], $0x80, v3, vm0, $0xb8;
	[tilespmem:$0x18080] =	vst v63  }
0x74: {  	s0 =	rddreg [dreg:$0x19]  }
0x75: {  	[tilespmem:s0], [sflag:$0x1] =	stream.indirect_vreg.gather [hbm4b:s4+s2], $0x80, v3, vm0, $0xb8;
	[tilespmem:$0x18080] =	vst v63  }
0x76: {  	s9 =	rddreg [dreg:$0x1a]  }
0x77: {  	[tilespmem:s9], [sflag:$0x1] =	stream.indirect_vreg.gather [hbm4b:s5+s2], $0x80, v3, vm0, $0xb8;
	[tilespmem:$0x18080] =	vst v63  }
0x78: {  	v3 =	vld [tilespmem:$0x40];
	_ =	sdelay $0x4  }
0x79: {  	v60 =	vshrl.u32 v3, $0x3  }
0x7a: {  	v4 =	vmul.u32 $0x30, v60  }
0x7b: {  	v3 =	vand.u32 $0x7, v3  }
0x7c: {  	v3 =	vor.u32 v3, v4  }
0x7d: {  	v4 =	vperm.xlane v3, v0;
	_ =	sdelay $0x1  }
0x7e: {  	v4 =	vadd.s32 v1, v4;
	_ =	sdelay $0x3  }
0x7f: {  	s0 =	rddreg [dreg:$0x1b];
	v3 =	vperm.xlane v3, v2  }
0x80: {  	[tilespmem:s0], [sflag:$0x1] =	stream.indirect_vreg.gather [hbm4b:s3+s2], $0x80, v4, vm0, $0xb8;
	[tilespmem:$0x18080] =	vst v63  }
0x81: {  	s9 =	rddreg [dreg:$0x1c];
	v3 =	vadd.s32 v1, v3  }
0x82: {  	[tilespmem:s9], [sflag:$0x1] =	stream.indirect_vreg.gather [hbm4b:s4+s2], $0x80, v4, vm0, $0xb8;
	[tilespmem:$0x18080] =	vst v63  }
0x83: {  	s9 =	simm.s32 $0xD080  }
0x84: {  	[tilespmem:s9], [sflag:$0x1] =	stream.indirect_vreg.gather [hbm4b:s5+s2], $0x80, v4, vm0, $0xb8;
	[tilespmem:$0x18080] =	vst v63  }
0x85: {  	_ = 	snop  }
0x86: {  	[tilespmem:s10], [sflag:$0x1] =	stream.indirect_vreg.gather [hbm4b:s3+s2], $0x80, v3, vm0, $0xb8;
	[tilespmem:$0x18080] =	vst v63  }
0x87: {  	_ = 	snop  }
0x88: {  	[tilespmem:s11], [sflag:$0x1] =	stream.indirect_vreg.gather [hbm4b:s4+s2], $0x80, v3, vm0, $0xb8;
	[tilespmem:$0x18080] =	vst v63  }
0x89: {  	_ = 	snop  }
0x8a: {  	[tilespmem:s12], [sflag:$0x1] =	stream.indirect_vreg.gather [hbm4b:s5+s2], $0x80, v3, vm0, $0xb8;
	[tilespmem:$0x18080] =	vst v63  }
0x8b: {  	v3 =	vld [tilespmem:$0x50];
	_ =	sdelay $0x4  }
0x8c: {  	v61 =	vshrl.u32 v3, $0x3  }
0x8d: {  	v4 =	vmul.u32 $0x30, v61  }
0x8e: {  	v3 =	vand.u32 $0x7, v3  }
0x8f: {  	v3 =	vor.u32 v3, v4  }
0x90: {  	v4 =	vperm.xlane v3, v0;
	_ =	sdelay $0x1  }
0x91: {  	v4 =	vadd.s32 v1, v4;
	_ =	sdelay $0x3  }
0x92: {  	v3 =	vperm.xlane v3, v2  }
0x93: {  	[tilespmem:s13], [sflag:$0x1] =	stream.indirect_vreg.gather [hbm4b:s3+s2], $0x80, v4, vm0, $0xb8;
	[tilespmem:$0x18080] =	vst v63  }
0x94: {  	v3 =	vadd.s32 v1, v3  }
0x95: {  	[tilespmem:s14], [sflag:$0x1] =	stream.indirect_vreg.gather [hbm4b:s4+s2], $0x80, v4, vm0, $0xb8;
	[tilespmem:$0x18080] =	vst v63  }
0x96: {  	_ = 	snop  }
0x97: {  	[tilespmem:s15], [sflag:$0x1] =	stream.indirect_vreg.gather [hbm4b:s5+s2], $0x80, v4, vm0, $0xb8;
	[tilespmem:$0x18080] =	vst v63  }
0x98: {  	_ = 	snop  }
0x99: {  	[tilespmem:s16], [sflag:$0x1] =	stream.indirect_vreg.gather [hbm4b:s3+s2], $0x80, v3, vm0, $0xb8;
	[tilespmem:$0x18080] =	vst v63  }
0x9a: {  	_ = 	snop  }
0x9b: {  	[tilespmem:s17], [sflag:$0x1] =	stream.indirect_vreg.gather [hbm4b:s4+s2], $0x80, v3, vm0, $0xb8;
	[tilespmem:$0x18080] =	vst v63  }
0x9c: {  	_ = 	snop  }
0x9d: {  	[tilespmem:s18], [sflag:$0x1] =	stream.indirect_vreg.gather [hbm4b:s5+s2], $0x80, v3, vm0, $0xb8;
	[tilespmem:$0x18080] =	vst v63  }
0x9e: {  	v3 =	vld [tilespmem:$0x60];
	_ =	sdelay $0x4  }
0x9f: {  	v62 =	vshrl.u32 v3, $0x3  }
0xa0: {  	v4 =	vmul.u32 $0x30, v62  }
0xa1: {  	v3 =	vand.u32 $0x7, v3  }
0xa2: {  	v3 =	vor.u32 v3, v4  }
0xa3: {  	v4 =	vperm.xlane v3, v0;
	_ =	sdelay $0x1  }
0xa4: {  	v4 =	vadd.s32 v1, v4;
	_ =	sdelay $0x3  }
0xa5: {  	v3 =	vperm.xlane v3, v2  }
0xa6: {  	[tilespmem:s19], [sflag:$0x1] =	stream.indirect_vreg.gather [hbm4b:s3+s2], $0x80, v4, vm0, $0xb8;
	[tilespmem:$0x18080] =	vst v63  }
0xa7: {  	v3 =	vadd.s32 v1, v3  }
0xa8: {  	[tilespmem:s20], [sflag:$0x1] =	stream.indirect_vreg.gather [hbm4b:s4+s2], $0x80, v4, vm0, $0xb8;
	[tilespmem:$0x18080] =	vst v63  }
0xa9: {  	_ = 	snop  }
0xaa: {  	[tilespmem:s21], [sflag:$0x1] =	stream.indirect_vreg.gather [hbm4b:s5+s2], $0x80, v4, vm0, $0xb8;
	[tilespmem:$0x18080] =	vst v63  }
0xab: {  	_ = 	snop  }
0xac: {  	[tilespmem:s22], [sflag:$0x1] =	stream.indirect_vreg.gather [hbm4b:s3+s2], $0x80, v3, vm0, $0xb8;
	[tilespmem:$0x18080] =	vst v63  }
0xad: {  	_ = 	snop  }
0xae: {  	[tilespmem:s23], [sflag:$0x1] =	stream.indirect_vreg.gather [hbm4b:s4+s2], $0x80, v3, vm0, $0xb8;
	[tilespmem:$0x18080] =	vst v63  }
0xaf: {  	_ = 	snop  }
0xb0: {  	[tilespmem:s24], [sflag:$0x1] =	stream.indirect_vreg.gather [hbm4b:s5+s2], $0x80, v3, vm0, $0xb8;
	[tilespmem:$0x18080] =	vst v63  }
0xb1: {  	v3 =	vld [tilespmem:$0x70];
	_ =	sdelay $0x4  }
0xb2: {  	v63 =	vshrl.u32 v3, $0x3  }
0xb3: {  	v4 =	vmul.u32 $0x30, v63  }
0xb4: {  	v3 =	vand.u32 $0x7, v3  }
0xb5: {  	v3 =	vor.u32 v3, v4  }
0xb6: {  	v4 =	vperm.xlane v3, v0;
	_ =	sdelay $0x1  }
0xb7: {  	v4 =	vadd.s32 v1, v4;
	_ =	sdelay $0x3  }
0xb8: {  	v3 =	vperm.xlane v3, v2  }
0xb9: {  	[tilespmem:s25], [sflag:$0x1] =	stream.indirect_vreg.gather [hbm4b:s3+s2], $0x80, v4, vm0, $0xb8;
	[tilespmem:$0x18080] =	vst v63  }
0xba: {  	v3 =	vadd.s32 v1, v3  }
0xbb: {  	[tilespmem:s26], [sflag:$0x1] =	stream.indirect_vreg.gather [hbm4b:s4+s2], $0x80, v4, vm0, $0xb8;
	[tilespmem:$0x18080] =	vst v63  }
0xbc: {  	_ = 	snop  }
0xbd: {  	[tilespmem:s28], [sflag:$0x1] =	stream.indirect_vreg.gather [hbm4b:s5+s2], $0x80, v4, vm0, $0xb8;
	[tilespmem:$0x18080] =	vst v63  }
0xbe: {  	_ = 	snop  }
0xbf: {  	[tilespmem:s29], [sflag:$0x1] =	stream.indirect_vreg.gather [hbm4b:s3+s2], $0x80, v3, vm0, $0xb8;
	[tilespmem:$0x18080] =	vst v63  }
0xc0: {  	_ = 	snop  }
0xc1: {  	[tilespmem:s30], [sflag:$0x1] =	stream.indirect_vreg.gather [hbm4b:s4+s2], $0x80, v3, vm0, $0xb8;
	[tilespmem:$0x18080] =	vst v63  }
0xc2: {  	_ = 	snop  }
0xc3: {  	[tilespmem:s31], [sflag:$0x1] =	stream.indirect_vreg.gather [hbm4b:s5+s2], $0x80, v3, vm0, $0xb8;
	[tilespmem:$0x18080] =	vst v63  }
0xc4: {  	_ =	swait.ge [sflag:s1], $0x18000  }
0xc5: {  	p0 =	sne.s32 s6, $0x1;
	[sflag:s1] =	ssyncset.done $0x0  }
.Ltmp0:
0xc6: {  	s9 =	rddreg [dreg:$0x3];
	[sflag:s1] =	ssyncadd.s32 $0xFFFE8000;
	(pc) =	sbr.rel @p0 .LBB2_1-.Ltmp0, $4  }
0xc7: {  	[hbm4b:s9+s2] =	stream.linear.scatter [tilespmem:s8], [sflag:$0x2], $0x18000, $0x38;
	[tilespmem:$0x18080] =	vst v63  }
0xc8: {  	_ =	swait.ge [sflag:s7], $0x18000  }
0xc9: {  	[sflag:s7] =	ssyncset.done $0x0  }
0xca: {  	s6 =	sadd.s32 $0xFFFFFFFF, s6;
	[sflag:s7] =	ssyncadd.s32 $0xFFFE8000  }
0xcb: {  	_ =	sfence.sel $0x180000  }
0xcc: {  	[bflag:$0x0] =	sbarrier.arrive $0xFFFF  }
0xcd: {  	_ =	strace $0x9000004A  }
0xce: {  	s0 =	stileid.u32;
	[bflag:$0x2] =	sbarrier.arrive $0xFFFF  }
0xcf: {  	p0 =	sne.s32 s0, $0x0;
	s0 =	rddreg [dreg:$0x1]  }
0xd0: {  	s0 =	sadd.s32 @!p0 $0x100000, s0  }
0xd1: {  	[sflag:s0] =	ssyncadd.tile.s32 @!p0 $0x1;
	_ =	shalt  }
.Lfunc_end2:
_tile_overlayer_lowered:
.L_overlay_start_2:
0xd2: {  	(tag) =	ssettag $0x2  }
0xd3: {  	s0 =	rddreg [dreg:$0x0];
	s2 =	stileid.u32  }
0xd4: {  	s1 =	rddreg [dreg:$0x1];
	p0 =	sne.s32 s2, $0x0  }
0xd5: {  	s3 =	rddreg [dreg:$0x2];
	[bflag:$0x3] =	sbarrier.arrive $0xFFFF;
	s2 =	simm.s32 @!p0 $0x1C02  }
0xd6: {  	[timem:s3], [sflag:s2] =	dma.local @!p0 [hbm:s0], s1  }
0xd7: {  	s0 =	simm.s32 @!p0 $0x2  }
0xd8: {  	_ =	swait.ge @!p0 [sflag:s0], s1  }
0xd9: {  	s1 =	ssub.s32 @!p0 $0x0, s1;
	[sflag:s0] =	ssyncset.done @!p0 $0x0  }
0xda: {  	[sflag:s0] =	ssyncadd.s32 @!p0 s1  }
0xdb: {  	[bflag:$0x3] =	sbarrier.arrive $0xFFFF  }
0xdc: {  	_ =	shalt  }

// kernel: kernel.7.cloned.1.call-start
scs
__scs_entry_jumppad:
0x0: {  	(pc) =	sbr.rel $0x88, $3  }
0x1: {  	(tag) =	ssettag $0x0;
	lr =	simm.s32 $0x1  }
0x2: {  	[smem:$0x3F9A] =	sst lr;
	_ =	strace $0xD0000000  }
0x3: {  	_ = 	snop  }
0x4: {  	_ = 	snop  }
0x5: {  	_ = 	snop  }
0x6: {  	_ = 	snop  }
0x7: {  	_ = 	snop  }
__scs_overlays_trampoline_lowered:
0x8: {  	[smem:$0x3FA9] =	sst s0  }
0x9: {  	[smem:$0x3FAA] =	sst s1  }
0xa: {  	[smem:$0x3FAB] =	sst s2  }
0xb: {  	[smem:$0x3FAC] =	sst s3  }
0xc: {  	[smem:$0x3FAD] =	sst s4  }
0xd: {  	[smem:$0x3FAE] =	sst s5  }
0xe: {  	[smem:$0x3FAF] =	sst s6  }
0xf: {  	[smem:$0x3FB0] =	sst s7  }
0x10: {  	[smem:$0x3FB1] =	sst s8  }
0x11: {  	[smem:$0x3FB2] =	sst s9;
	s0 =	simm.s32 @!p0 $0x0  }
0x12: {  	s1 =	sld [smem:$0x3F98];
	s0 =	simm.s32 @p0 $0x1  }
0x13: {  	[smem:$0x3FB3] =	sst s0;
	s0 =	simm.s32 @!p1 $0x0  }
0x14: {  	s2 =	sld [smem:$0x3F97];
	s0 =	simm.s32 @p1 $0x1  }
0x15: {  	[smem:$0x3FB4] =	sst s0;
	s0 =	simm.s32 @!p2 $0x0  }
0x16: {  	s3 =	sld [smem:$0x3FDB];
	s0 =	simm.s32 @p2 $0x1  }
0x17: {  	s4 =	simm.s32 $0x1BF5;
	[smem:$0x3FB6] =	sst s0  }
0x18: {  	s0 =	sld [smem:$0x3F99];
	_ =	swait.ge [sflag:s4], $0x0  }
0x19: {  	s7 =	sld [smem:$0x3F9A]  }
0x1a: {  	s8 =	sadd.s32 $0xFFFFE003, lr  }
0x1b: {  	s9 =	sadd.s32 $0xFFFFFEF7, lr;
	s5 =	simm.s32 $0xFFFFFFFF;
	p2 =	slt.u32 s8, $0xFFFFF086  }
0x1c: {  	p1 =	slt.u32 s9, $0xF7A;
	s5 =	simm.s32 @!p2 $0x0  }
0x1d: {  	s5 =	simm.s32 @p1 $0x1;
	p0 =	seq.s32 s7, s2  }
0x1e: {  	s7 =	smul.u32 @!p0 $0xF7A, s2;
	p2 =	seq.s32 @!p0 s5, $0x0  }
0x1f: {  	s9 =	smul.u32 $0xF7A, s1;
	s8 =	simm.s32 @!p0 $0x1BF5;
	p2 =	por !p2, p0  }
0x20: {  	[sflag:s8] =	ssyncset.s32 @!p0 $0xFFFFF086;
	s6 =	sadd.s32 @!p0 s3, s7;
	s7 =	simm.s32 @!p0 $0x108  }
0x21: {  	s3 =	sadd.s32 s3, s9;
	s6 =	sadd.s32 @!p0 $0x88, s6;
	s7 =	simm.s32 @p2 $0x1082  }
0x22: {  	[simem:s7], [sflag:s8] =	dma.local @!p0 [hbm:s6], $0xF7A  }
0x23: {  	s9 =	sor.u32 $0xD0000000, s2;
	s6 =	simm.s32 $0x108;
	_ =	swait.ge @!p0 [sflag:s8], $0x0  }
0x24: {  	s3 =	sadd.s32 $0x88, s3;
	s6 =	simm.s32 @!p1 $0x1082;
	[sflag:s4] =	ssyncset.s32 $0xFFFFF086  }
0x25: {  	[simem:s6], [sflag:s4] =	dma.local [hbm:s3], $0xF7A  }
0x26: {  	[smem:$0x3F9A] =	sst s1;
	(tag) =	ssettag s2;
	_ =	strace s9  }
0x27: {  	s1 =	sld [smem:$0x3FAA]  }
0x28: {  	s2 =	sld [smem:$0x3FAB]  }
0x29: {  	s4 =	sld [smem:$0x3FAD]  }
0x2a: {  	p0 =	seq.s32 s5, $0x0;
	s5 =	sld [smem:$0x3FAE]  }
0x2b: {  	s6 =	sld [smem:$0x3FAF]  }
0x2c: {  	s7 =	sld [smem:$0x3FB0]  }
0x2d: {  	s3 =	simm.s32 $0x108;
	s8 =	sld [smem:$0x3FB1]  }
0x2e: {  	s3 =	simm.s32 @!p0 $0x1082;
	s9 =	sld [smem:$0x3FB2]  }
0x2f: {  	lr =	sadd.s32 s0, s3;
	s0 =	sld [smem:$0x3FA9]  }
0x30: {  	s3 =	sld [smem:$0x3FAC]  }
0x31: {  	[smem:$0x3FB5] =	sst s10  }
0x32: {  	s10 =	sld [smem:$0x3FB3];
	_ =	sdelay $0x3  }
0x33: {  	p0 =	seq.s32 s10, $0x1;
	s10 =	sld [smem:$0x3FB5];
	_ =	sdelay $0x3  }
0x34: {  	[smem:$0x3FB5] =	sst s10  }
0x35: {  	s10 =	sld [smem:$0x3FB4];
	_ =	sdelay $0x3  }
0x36: {  	p1 =	seq.s32 s10, $0x1;
	s10 =	sld [smem:$0x3FB5];
	_ =	sdelay $0x3  }
0x37: {  	[smem:$0x3FB5] =	sst s10  }
0x38: {  	s10 =	sld [smem:$0x3FB6]  }
0x39: {  	_ = 	snop;
	(pc) =	sbr.ind lr, $3  }
0x3a: {  	_ = 	snop  }
0x3b: {  	_ = 	snop  }
0x3c: {  	p2 =	seq.s32 s10, $0x1;
	s10 =	sld [smem:$0x3FB5]  }
0x3d: {  	_ =	shalt  }
0x3e: {  	_ =	shalt  }
0x3f: {  	_ =	shalt  }
0x40: {  	_ =	shalt  }
0x41: {  	_ =	shalt  }
0x42: {  	_ =	shalt  }
0x43: {  	_ =	shalt  }
0x44: {  	_ =	shalt  }
0x45: {  	_ =	shalt  }
0x46: {  	_ =	shalt  }
0x47: {  	_ =	shalt  }
0x48: {  	_ =	shalt  }
0x49: {  	_ =	shalt  }
0x4a: {  	_ =	shalt  }
0x4b: {  	_ =	shalt  }
0x4c: {  	_ =	shalt  }
0x4d: {  	_ =	shalt  }
0x4e: {  	_ =	shalt  }
0x4f: {  	_ =	shalt  }
0x50: {  	_ =	shalt  }
0x51: {  	_ =	shalt  }
0x52: {  	_ =	shalt  }
0x53: {  	_ =	shalt  }
0x54: {  	_ =	shalt  }
0x55: {  	_ =	shalt  }
0x56: {  	_ =	shalt  }
0x57: {  	_ =	shalt  }
0x58: {  	_ =	shalt  }
0x59: {  	_ =	shalt  }
0x5a: {  	_ =	shalt  }
0x5b: {  	_ =	shalt  }
0x5c: {  	_ =	shalt  }
0x5d: {  	_ =	shalt  }
0x5e: {  	_ =	shalt  }
0x5f: {  	_ =	shalt  }
0x60: {  	_ =	shalt  }
0x61: {  	_ =	shalt  }
0x62: {  	_ =	shalt  }
0x63: {  	_ =	shalt  }
0x64: {  	_ =	shalt  }
0x65: {  	_ =	shalt  }
0x66: {  	_ =	shalt  }
0x67: {  	_ =	shalt  }
0x68: {  	_ =	shalt  }
0x69: {  	_ =	shalt  }
0x6a: {  	_ =	shalt  }
0x6b: {  	_ =	shalt  }
0x6c: {  	_ =	shalt  }
0x6d: {  	_ =	shalt  }
0x6e: {  	_ =	shalt  }
0x6f: {  	_ =	shalt  }
0x70: {  	_ =	shalt  }
0x71: {  	_ =	shalt  }
0x72: {  	_ =	shalt  }
0x73: {  	_ =	shalt  }
0x74: {  	_ =	shalt  }
0x75: {  	_ =	shalt  }
0x76: {  	_ =	shalt  }
0x77: {  	_ =	shalt  }
0x78: {  	_ =	shalt  }
0x79: {  	_ =	shalt  }
0x7a: {  	_ =	shalt  }
0x7b: {  	_ =	shalt  }
0x7c: {  	_ =	shalt  }
0x7d: {  	_ =	shalt  }
0x7e: {  	_ =	shalt  }
0x7f: {  	_ =	shalt  }
0x80: {  	_ =	shalt  }
0x81: {  	_ =	shalt  }
0x82: {  	_ =	shalt  }
0x83: {  	_ =	shalt  }
0x84: {  	_ =	shalt  }
0x85: {  	_ =	shalt  }
0x86: {  	_ =	shalt  }
0x87: {  	_ =	shalt  }
.Lfunc_end0:
.L_simem_size_0:
called_computation_lowered:
.L_overlay_start_0:
0x88: {  	s2 =	sld [smem:$0x3FD9]  }
0x89: {  	s3 =	sld [smem:$0x3FFE];
	_ =	sdelay $0x1  }
0x8a: {  	s1 =	srdreg.scid  }
0x8b: {  	s0 =	sand.u32 $0x1, s1  }
0x8c: {  	s17 =	sshll.u32 s0, $0xA;
	s2 =	sadd.s32 s3, s2  }
0x8d: {  	s2 =	sadd.s32 s2, s17  }
0x8e: {  	[smem:$0x3FC1] =	sst s2  }
0x8f: {  	_ = 	snop  }
0x90: {  	s2 =	sld [smem:$0x3FC9];
	(tm) =	ssettm $0x1  }
0x91: {  	s18 =	sld [smem:$0x3FFB];
	_ =	sdelay $0x3  }
0x92: {  	_ =	strace s18  }
0x93: {  	s3 =	sld [smem:$0x3FFC];
	_ =	sdelay $0x3  }
0x94: {  	_ =	strace s3  }
0x95: {  	s3 =	sld [smem:$0x3FFD];
	_ =	sdelay $0x3  }
0x96: {  	_ =	strace s3  }
0x97: {  	_ =	strace $0x8FFFFFFF  }
0x98: {  	s19 =	sld [smem:$0x3FDB];
	_ =	sdelay $0x1  }
0x99: {  	s4 =	simm.s32 $_scs_section_size  }
0x9a: {  	s5 =	simm.s32 $_size__tile_overlayer_lowered;
	s6 =	simm.s32 $_tile_overlayer_lowered  }
0x9b: {  	s22 =	simm.s32 $0x1BFF;
	s21 =	sshll.u32 s6, $0x1;
	s3 =	sadd.s32 s4, s19  }
0x9c: {  	s7 =	simm.s32 $0x0;
	s20 =	sshll.u32 s5, $0x1;
	s5 =	sadd.s32 s21, s3  }
0x9d: {  	[timem:s7], [sflag:s22] =	dma.local [hbm:s5], s20  }
0x9e: {  	_ =	swait.ge [sflag:s22], s20  }
0x9f: {  	s4 =	ssub.s32 $0x0, s20;
	[sflag:s22] =	ssyncset.done $0x0  }
0xa0: {  	[sflag:s22] =	ssyncadd.s32 s4;
	_ =	sdelay $0x1  }
0xa1: {  	s23 =	simm.s32 $0x1B8B  }
0xa2: {  	_ =	swait.ge [sflag:s23], $0x1  }
0xa3: {  	[sflag:s23] =	ssyncset.done $0x0  }
0xa4: {  	s25 =	simm.s32 $0x1B8E;
	s24 =	sld [smem:$0x3FFE];
	[sflag:s23] =	ssyncadd.s32 $0xFFFFFFFF  }
0xa5: {  	s26 =	simm.s32 $execute0_lowered;
	[smem:$0x3FD2] =	sst s25  }
0xa6: {  	s5 =	sshll.u32 s26, $0x1;
	_ =	strace $0x80000046;
	[dreg:$0x1] =	wrdreg $0xFFFFFFFF  }
0xa7: {  	s28 =	simm.s32 $_size_execute0_lowered;
	s3 =	sadd.s32 s3, s5;
	[dreg:$0x0] =	wrdreg $0x0  }
0xa8: {  	s5 =	sshll.u32 s28, $0x1;
	[dreg:$0x2] =	wrdreg s3  }
0xa9: {  	[dreg:$0x3] =	wrdreg s5  }
0xaa: {  	[dreg:$0x4] =	wrdreg $0xC0  }
0xab: {  	_ =	task [dreg:s7], $0x5FFFF  }
0xac: {  	[dreg:$0x1] =	wrdreg $0xFFFFFFFF  }
0xad: {  	[dreg:$0x0] =	wrdreg $0x60  }
0xae: {  	[dreg:$0x2] =	wrdreg s2  }
0xaf: {  	[dreg:$0x3] =	wrdreg s24  }
0xb0: {  	[dreg:$0x4] =	wrdreg $0x9  }
0xb1: {  	_ =	task.clear_ibuf [dreg:s7], $0x5FFFF;
	_ =	strace $0x90000046  }
0xb2: {  	s29 =	simm.s32 $0x9;
	_ =	strace $0x80000048  }
0xb3: {  	_ =	swait.ge [sflag:s29], $0x1  }
0xb4: {  	[sflag:s29] =	ssyncadd.s32 $0xFFFFFFFF  }
0xb5: {  	_ =	strace $0x90000048  }
0xb6: {  	_ =	sfence  }
0xb7: {  	s30 =	sld [smem:$0x0];
	_ =	sdelay $0x2  }
0xb8: {  	s31 =	sshll.u32 s1, $0xD;
	s1 =	sshrl.u32 s1, $0x2  }
0xb9: {  	s3 =	sand.u32 $0x4000, s31;
	s1 =	sadd.s32 s1, s30  }
0xba: {  	s0 =	sor.u32 s3, s0;
	s1 =	sshll.u32 s1, $0x11  }
0xbb: {  	s0 =	sor.u32 s1, s0  }
0xbc: {  	s0 =	sadd.s32 $0x8F2B, s0  }
0xbd: {  	[sflag:s0] =	ssyncadd.remote.s32 $0x1  }
0xbe: {  	_ =	sfence.sel $0xFFFF  }
0xbf: {  	[dreg:$0x0] =	wrdreg $0xFFFFFFFF;
	(pc) =	sbr.abs _section_cstart, $3  }
0xc0: {  	[dreg:$0x1] =	wrdreg $0xFFFFFFFF  }
0xc1: {  	_ =	task.clear_ibuf [dreg:s7], $0x2FFFF;
	_ =	strace $0x9FFFFFFF  }
0xc2: {  	(tm) =	ssettm $0x7FFFFFFF  }
0xc3: {  	_ =	shalt  }
tec
execute0_lowered:
.L_overlay_start_1:
0x0: {  	(tag) =	ssettag $0x1  }
0x1: {  	s1 =	srdreg.scid  }
0x2: {  	s0 =	stileid.u32;
	s1 =	sand.u32 $0x1, s1  }
0x3: {  	s3 =	rddreg [dreg:$0x0];
	s2 =	sshll.u32 s0, $0x5;
	s4 =	sshll.u32 s1, $0x4  }
0x4: {  	s5 =	rddreg [dreg:$0x1];
	s4 =	sor.u32 s4, s2;
	s2 =	simm.s32 $0x0  }
0x5: {  	s25 =	simm.s32 $0x880;
	[smem:$0x7FF] =	sst s2  }
0x6: {  	s26 =	simm.s32 $0x1080;
	_ =	strace $0x80000047;
	[dreg:$0x5] =	wrdreg s25  }
0x7: {  	s0 =	simm.s32 $0x1880;
	[dreg:$0x6] =	wrdreg s26  }
0x8: {  	s7 =	simm.s32 $0x3080;
	[dreg:$0x7] =	wrdreg s0  }
0x9: {  	s8 =	simm.s32 $0x3880;
	[dreg:$0xa] =	wrdreg s7  }
0xa: {  	s9 =	simm.s32 $0x4080;
	[dreg:$0xb] =	wrdreg s8  }
0xb: {  	s10 =	simm.s32 $0x4880;
	[dreg:$0xc] =	wrdreg s9  }
0xc: {  	s11 =	simm.s32 $0x5080;
	s12 =	simm.s32 $0x5880;
	[dreg:$0xd] =	wrdreg s10  }
0xd: {  	s13 =	simm.s32 $0x6080;
	s14 =	simm.s32 $0x6880;
	[dreg:$0xe] =	wrdreg s11  }
0xe: {  	s15 =	simm.s32 $0x7080;
	s16 =	simm.s32 $0x7880;
	[dreg:$0xf] =	wrdreg s12  }
0xf: {  	s17 =	simm.s32 $0x8080;
	s18 =	simm.s32 $0x8880;
	[dreg:$0x10] =	wrdreg s13  }
0x10: {  	s19 =	simm.s32 $0x9080;
	s21 =	simm.s32 $0x9880;
	[dreg:$0x11] =	wrdreg s14  }
0x11: {  	s22 =	simm.s32 $0xA080;
	s23 =	simm.s32 $0xA880;
	[dreg:$0x12] =	wrdreg s15  }
0x12: {  	s24 =	simm.s32 $0xB880;
	s28 =	simm.s32 $0x16080;
	[dreg:$0x13] =	wrdreg s16  }
0x13: {  	s29 =	simm.s32 $0x16880;
	s30 =	simm.s32 $0x17080;
	[dreg:$0x14] =	wrdreg s17  }
0x14: {  	s31 =	simm.s32 $0x17880;
	s1 =	ssub.s32 $0x2, s1;
	[dreg:$0x15] =	wrdreg s18  }
0x15: {  	s20 =	sshrl.u32 s1, $0x1;
	s6 =	sand.u32 $0xF0, s4;
	[dreg:$0x16] =	wrdreg s19  }
0x16: {  	s4 =	sadd.s32 s4, s5;
	s1 =	ssub.s32 s1, s20;
	[dreg:$0x17] =	wrdreg s21  }
0x17: {  	s20 =	simm.s32 $0x12880;
	s6 =	smul.u32 $0x300, s6;
	[dreg:$0x18] =	wrdreg s22  }
0x18: {  	s4 =	sadd.s32 $0xE00, s4;
	[dreg:$0x19] =	wrdreg s23;
	s7 =	simm.s32 $0xB080  }
0x19: {  	[dreg:$0x1b] =	wrdreg s24;
	s25 =	simm.s32 $0xC080;
	s8 =	simm.s32 $0x80  }
0x1a: {  	s26 =	simm.s32 $0xC880;
	s10 =	simm.s32 $0xD880;
	s11 =	simm.s32 $0xE080  }
0x1b: {  	s12 =	simm.s32 $0xE880;
	s13 =	simm.s32 $0xF080;
	s14 =	simm.s32 $0xF880  }
0x1c: {  	s15 =	simm.s32 $0x10080;
	s16 =	simm.s32 $0x10880;
	s17 =	simm.s32 $0x11080  }
0x1d: {  	s18 =	simm.s32 $0x11880;
	s19 =	simm.s32 $0x12080;
	[dreg:$0x3] =	wrdreg s4  }
0x1e: {  	s21 =	simm.s32 $0x13080;
	s22 =	simm.s32 $0x13880;
	[dreg:$0x1a] =	wrdreg s7  }
0x1f: {  	s23 =	simm.s32 $0x14080;
	s24 =	simm.s32 $0x14880;
	[dreg:$0x1c] =	wrdreg s25  }
0x20: {  	s4 =	simm.s32 $0x2080;
	s7 =	simm.s32 $0x2;
	[dreg:$0x1d] =	wrdreg s26  }
0x21: {  	s25 =	simm.s32 $0x15080;
	s3 =	sadd.s32 s3, s6;
	[dreg:$0x8] =	wrdreg s4  }
0x22: {  	v2 =	vlaneseq.u32;
	s26 =	simm.s32 $0x15880;
	s6 =	simm.s32 $0x2880;
	[dreg:$0x4] =	wrdreg s3  }
0x23: {  	vm0 =	vmmov $0xffff;
	v1 =	vshrl.u32 v2, $0x3;
	s4 =	sadd.s32 $0x1100, s5;
	[dreg:$0x9] =	wrdreg s6;
	s3 =	sadd.s32 $0x1000, s5  }
0x24: {  	v0 =	vand.u32 $0x7, v2;
	v2 =	vor.u32 $0x8, v2;
	v1 =	vmul.u32 $0x8, v1;
	s5 =	sadd.s32 $0x1200, s5;
	s6 =	smax.u32 s1, $0x1;
	s1 =	simm.s32 $0x1  }
.LBB2_1:
0x25: {  	s0 =	rddreg [dreg:$0x3]  }
0x26: {  	[tilespmem:s2], [sflag:$0x2] =	stream.linear.gather [hbm4b:s0+s2], $0x80, $0x38;
	[tilespmem:$0x18080] =	vst v63  }
0x27: {  	_ =	swait.ge [sflag:s7], $0x80  }
0x28: {  	[sflag:s7] =	ssyncset.done $0x0  }
0x29: {  	s9 =	rddreg [dreg:$0x4];
	[sflag:s7] =	ssyncadd.s32 $0xFFFFFF80  }
0x2a: {  	[tilespmem:s8], [sflag:$0x2] =	stream.linear.gather [hbm4b:s9+s2], $0x18000, $0x38;
	[tilespmem:$0x18080] =	vst v63  }
0x2b: {  	_ =	swait.ge [sflag:s7], $0x18000  }
0x2c: {  	[sflag:s7] =	ssyncset.done $0x0  }
0x2d: {  	[sflag:s7] =	ssyncadd.s32 $0xFFFE8000  }
0x2e: {  	v3 =	vld [tilespmem:$0x0];
	_ =	sdelay $0x4  }
0x2f: {  	v4 =	vshrl.u32 v3, $0x3  }
0x30: {  	v4 =	vmul.u32 $0x30, v4  }
0x31: {  	v3 =	vand.u32 $0x7, v3  }
0x32: {  	v3 =	vor.u32 v3, v4  }
0x33: {  	v4 =	vperm.xlane v3, v0;
	_ =	sdelay $0x1  }
0x34: {  	v4 =	vadd.s32 v1, v4;
	_ =	sdelay $0x3  }
0x35: {  	v3 =	vperm.xlane v3, v2  }
0x36: {  	[hbm4b:s3+s2] =	stream.indirect_vreg.scatter [tilespmem:s8], [sflag:$0x1], $0x80, v4, vm0, $0xb8;
	[tilespmem:$0x18080] =	vst v63  }
0x37: {  	s0 =	rddreg [dreg:$0x5];
	v3 =	vadd.s32 v1, v3  }
0x38: {  	[hbm4b:s4+s2] =	stream.indirect_vreg.scatter [tilespmem:s0], [sflag:$0x1], $0x80, v4, vm0, $0xb8;
	[tilespmem:$0x18080] =	vst v63  }
0x39: {  	s9 =	rddreg [dreg:$0x6]  }
0x3a: {  	[hbm4b:s5+s2] =	stream.indirect_vreg.scatter [tilespmem:s9], [sflag:$0x1], $0x80, v4, vm0, $0xb8;
	[tilespmem:$0x18080] =	vst v63  }
0x3b: {  	s0 =	rddreg [dreg:$0x7]  }
0x3c: {  	[hbm4b:s3+s2] =	stream.indirect_vreg.scatter [tilespmem:s0], [sflag:$0x1], $0x80, v3, vm0, $0xb8;
	[tilespmem:$0x18080] =	vst v63  }
0x3d: {  	s9 =	rddreg [dreg:$0x8]  }
0x3e: {  	[hbm4b:s4+s2] =	stream.indirect_vreg.scatter [tilespmem:s9], [sflag:$0x1], $0x80, v3, vm0, $0xb8;
	[tilespmem:$0x18080] =	vst v63  }
0x3f: {  	s0 =	rddreg [dreg:$0x9]  }
0x40: {  	[hbm4b:s5+s2] =	stream.indirect_vreg.scatter [tilespmem:s0], [sflag:$0x1], $0x80, v3, vm0, $0xb8;
	[tilespmem:$0x18080] =	vst v63  }
0x41: {  	v3 =	vld [tilespmem:$0x10];
	_ =	sdelay $0x4  }
0x42: {  	v57 =	vshrl.u32 v3, $0x3  }
0x43: {  	v4 =	vmul.u32 $0x30, v57  }
0x44: {  	v3 =	vand.u32 $0x7, v3  }
0x45: {  	v3 =	vor.u32 v3, v4  }
0x46: {  	v4 =	vperm.xlane v3, v0;
	_ =	sdelay $0x1  }
0x47: {  	v4 =	vadd.s32 v1, v4;
	_ =	sdelay $0x3  }
0x48: {  	s0 =	rddreg [dreg:$0xa];
	v3 =	vperm.xlane v3, v2  }
0x49: {  	[hbm4b:s3+s2] =	stream.indirect_vreg.scatter [tilespmem:s0], [sflag:$0x1], $0x80, v4, vm0, $0xb8;
	[tilespmem:$0x18080] =	vst v63  }
0x4a: {  	s9 =	rddreg [dreg:$0xb];
	v3 =	vadd.s32 v1, v3  }
0x4b: {  	[hbm4b:s4+s2] =	stream.indirect_vreg.scatter [tilespmem:s9], [sflag:$0x1], $0x80, v4, vm0, $0xb8;
	[tilespmem:$0x18080] =	vst v63  }
0x4c: {  	s0 =	rddreg [dreg:$0xc]  }
0x4d: {  	[hbm4b:s5+s2] =	stream.indirect_vreg.scatter [tilespmem:s0], [sflag:$0x1], $0x80, v4, vm0, $0xb8;
	[tilespmem:$0x18080] =	vst v63  }
0x4e: {  	s9 =	rddreg [dreg:$0xd]  }
0x4f: {  	[hbm4b:s3+s2] =	stream.indirect_vreg.scatter [tilespmem:s9], [sflag:$0x1], $0x80, v3, vm0, $0xb8;
	[tilespmem:$0x18080] =	vst v63  }
0x50: {  	s0 =	rddreg [dreg:$0xe]  }
0x51: {  	[hbm4b:s4+s2] =	stream.indirect_vreg.scatter [tilespmem:s0], [sflag:$0x1], $0x80, v3, vm0, $0xb8;
	[tilespmem:$0x18080] =	vst v63  }
0x52: {  	s9 =	rddreg [dreg:$0xf]  }
0x53: {  	[hbm4b:s5+s2] =	stream.indirect_vreg.scatter [tilespmem:s9], [sflag:$0x1], $0x80, v3, vm0, $0xb8;
	[tilespmem:$0x18080] =	vst v63  }
0x54: {  	v3 =	vld [tilespmem:$0x20];
	_ =	sdelay $0x4  }
0x55: {  	v58 =	vshrl.u32 v3, $0x3  }
0x56: {  	v4 =	vmul.u32 $0x30, v58  }
0x57: {  	v3 =	vand.u32 $0x7, v3  }
0x58: {  	v3 =	vor.u32 v3, v4  }
0x59: {  	v4 =	vperm.xlane v3, v0;
	_ =	sdelay $0x1  }
0x5a: {  	v4 =	vadd.s32 v1, v4;
	_ =	sdelay $0x3  }
0x5b: {  	s0 =	rddreg [dreg:$0x10];
	v3 =	vperm.xlane v3, v2  }
0x5c: {  	[hbm4b:s3+s2] =	stream.indirect_vreg.scatter [tilespmem:s0], [sflag:$0x1], $0x80, v4, vm0, $0xb8;
	[tilespmem:$0x18080] =	vst v63  }
0x5d: {  	s9 =	rddreg [dreg:$0x11];
	v3 =	vadd.s32 v1, v3  }
0x5e: {  	[hbm4b:s4+s2] =	stream.indirect_vreg.scatter [tilespmem:s9], [sflag:$0x1], $0x80, v4, vm0, $0xb8;
	[tilespmem:$0x18080] =	vst v63  }
0x5f: {  	s0 =	rddreg [dreg:$0x12]  }
0x60: {  	[hbm4b:s5+s2] =	stream.indirect_vreg.scatter [tilespmem:s0], [sflag:$0x1], $0x80, v4, vm0, $0xb8;
	[tilespmem:$0x18080] =	vst v63  }
0x61: {  	s9 =	rddreg [dreg:$0x13]  }
0x62: {  	[hbm4b:s3+s2] =	stream.indirect_vreg.scatter [tilespmem:s9], [sflag:$0x1], $0x80, v3, vm0, $0xb8;
	[tilespmem:$0x18080] =	vst v63  }
0x63: {  	s0 =	rddreg [dreg:$0x14]  }
0x64: {  	[hbm4b:s4+s2] =	stream.indirect_vreg.scatter [tilespmem:s0], [sflag:$0x1], $0x80, v3, vm0, $0xb8;
	[tilespmem:$0x18080] =	vst v63  }
0x65: {  	s9 =	rddreg [dreg:$0x15]  }
0x66: {  	[hbm4b:s5+s2] =	stream.indirect_vreg.scatter [tilespmem:s9], [sflag:$0x1], $0x80, v3, vm0, $0xb8;
	[tilespmem:$0x18080] =	vst v63  }
0x67: {  	v3 =	vld [tilespmem:$0x30];
	_ =	sdelay $0x4  }
0x68: {  	v59 =	vshrl.u32 v3, $0x3  }
0x69: {  	v4 =	vmul.u32 $0x30, v59  }
0x6a: {  	v3 =	vand.u32 $0x7, v3  }
0x6b: {  	v3 =	vor.u32 v3, v4  }
0x6c: {  	v4 =	vperm.xlane v3, v0;
	_ =	sdelay $0x1  }
0x6d: {  	v4 =	vadd.s32 v1, v4;
	_ =	sdelay $0x3  }
0x6e: {  	s0 =	rddreg [dreg:$0x16];
	v3 =	vperm.xlane v3, v2  }
0x6f: {  	[hbm4b:s3+s2] =	stream.indirect_vreg.scatter [tilespmem:s0], [sflag:$0x1], $0x80, v4, vm0, $0xb8;
	[tilespmem:$0x18080] =	vst v63  }
0x70: {  	s9 =	rddreg [dreg:$0x17];
	v3 =	vadd.s32 v1, v3  }
0x71: {  	[hbm4b:s4+s2] =	stream.indirect_vreg.scatter [tilespmem:s9], [sflag:$0x1], $0x80, v4, vm0, $0xb8;
	[tilespmem:$0x18080] =	vst v63  }
0x72: {  	s0 =	rddreg [dreg:$0x18]  }
0x73: {  	[hbm4b:s5+s2] =	stream.indirect_vreg.scatter [tilespmem:s0], [sflag:$0x1], $0x80, v4, vm0, $0xb8;
	[tilespmem:$0x18080] =	vst v63  }
0x74: {  	s9 =	rddreg [dreg:$0x19]  }
0x75: {  	[hbm4b:s3+s2] =	stream.indirect_vreg.scatter [tilespmem:s9], [sflag:$0x1], $0x80, v3, vm0, $0xb8;
	[tilespmem:$0x18080] =	vst v63  }
0x76: {  	s0 =	rddreg [dreg:$0x1a]  }
0x77: {  	[hbm4b:s4+s2] =	stream.indirect_vreg.scatter [tilespmem:s0], [sflag:$0x1], $0x80, v3, vm0, $0xb8;
	[tilespmem:$0x18080] =	vst v63  }
0x78: {  	s9 =	rddreg [dreg:$0x1b]  }
0x79: {  	[hbm4b:s5+s2] =	stream.indirect_vreg.scatter [tilespmem:s9], [sflag:$0x1], $0x80, v3, vm0, $0xb8;
	[tilespmem:$0x18080] =	vst v63  }
0x7a: {  	v3 =	vld [tilespmem:$0x40];
	_ =	sdelay $0x4  }
0x7b: {  	v60 =	vshrl.u32 v3, $0x3  }
0x7c: {  	v4 =	vmul.u32 $0x30, v60  }
0x7d: {  	v3 =	vand.u32 $0x7, v3  }
0x7e: {  	v3 =	vor.u32 v3, v4  }
0x7f: {  	v4 =	vperm.xlane v3, v0;
	_ =	sdelay $0x1  }
0x80: {  	v4 =	vadd.s32 v1, v4;
	_ =	sdelay $0x3  }
0x81: {  	s0 =	rddreg [dreg:$0x1c];
	v3 =	vperm.xlane v3, v2  }
0x82: {  	[hbm4b:s3+s2] =	stream.indirect_vreg.scatter [tilespmem:s0], [sflag:$0x1], $0x80, v4, vm0, $0xb8;
	[tilespmem:$0x18080] =	vst v63  }
0x83: {  	s9 =	rddreg [dreg:$0x1d];
	v3 =	vadd.s32 v1, v3  }
0x84: {  	[hbm4b:s4+s2] =	stream.indirect_vreg.scatter [tilespmem:s9], [sflag:$0x1], $0x80, v4, vm0, $0xb8;
	[tilespmem:$0x18080] =	vst v63  }
0x85: {  	s9 =	simm.s32 $0xD080  }
0x86: {  	[hbm4b:s5+s2] =	stream.indirect_vreg.scatter [tilespmem:s9], [sflag:$0x1], $0x80, v4, vm0, $0xb8;
	[tilespmem:$0x18080] =	vst v63  }
0x87: {  	_ = 	snop  }
0x88: {  	[hbm4b:s3+s2] =	stream.indirect_vreg.scatter [tilespmem:s10], [sflag:$0x1], $0x80, v3, vm0, $0xb8;
	[tilespmem:$0x18080] =	vst v63  }
0x89: {  	_ = 	snop  }
0x8a: {  	[hbm4b:s4+s2] =	stream.indirect_vreg.scatter [tilespmem:s11], [sflag:$0x1], $0x80, v3, vm0, $0xb8;
	[tilespmem:$0x18080] =	vst v63  }
0x8b: {  	_ = 	snop  }
0x8c: {  	[hbm4b:s5+s2] =	stream.indirect_vreg.scatter [tilespmem:s12], [sflag:$0x1], $0x80, v3, vm0, $0xb8;
	[tilespmem:$0x18080] =	vst v63  }
0x8d: {  	v3 =	vld [tilespmem:$0x50];
	_ =	sdelay $0x4  }
0x8e: {  	v61 =	vshrl.u32 v3, $0x3  }
0x8f: {  	v4 =	vmul.u32 $0x30, v61  }
0x90: {  	v3 =	vand.u32 $0x7, v3  }
0x91: {  	v3 =	vor.u32 v3, v4  }
0x92: {  	v4 =	vperm.xlane v3, v0;
	_ =	sdelay $0x1  }
0x93: {  	v4 =	vadd.s32 v1, v4;
	_ =	sdelay $0x3  }
0x94: {  	v3 =	vperm.xlane v3, v2  }
0x95: {  	[hbm4b:s3+s2] =	stream.indirect_vreg.scatter [tilespmem:s13], [sflag:$0x1], $0x80, v4, vm0, $0xb8;
	[tilespmem:$0x18080] =	vst v63  }
0x96: {  	v3 =	vadd.s32 v1, v3  }
0x97: {  	[hbm4b:s4+s2] =	stream.indirect_vreg.scatter [tilespmem:s14], [sflag:$0x1], $0x80, v4, vm0, $0xb8;
	[tilespmem:$0x18080] =	vst v63  }
0x98: {  	_ = 	snop  }
0x99: {  	[hbm4b:s5+s2] =	stream.indirect_vreg.scatter [tilespmem:s15], [sflag:$0x1], $0x80, v4, vm0, $0xb8;
	[tilespmem:$0x18080] =	vst v63  }
0x9a: {  	_ = 	snop  }
0x9b: {  	[hbm4b:s3+s2] =	stream.indirect_vreg.scatter [tilespmem:s16], [sflag:$0x1], $0x80, v3, vm0, $0xb8;
	[tilespmem:$0x18080] =	vst v63  }
0x9c: {  	_ = 	snop  }
0x9d: {  	[hbm4b:s4+s2] =	stream.indirect_vreg.scatter [tilespmem:s17], [sflag:$0x1], $0x80, v3, vm0, $0xb8;
	[tilespmem:$0x18080] =	vst v63  }
0x9e: {  	_ = 	snop  }
0x9f: {  	[hbm4b:s5+s2] =	stream.indirect_vreg.scatter [tilespmem:s18], [sflag:$0x1], $0x80, v3, vm0, $0xb8;
	[tilespmem:$0x18080] =	vst v63  }
0xa0: {  	v3 =	vld [tilespmem:$0x60];
	_ =	sdelay $0x4  }
0xa1: {  	v62 =	vshrl.u32 v3, $0x3  }
0xa2: {  	v4 =	vmul.u32 $0x30, v62  }
0xa3: {  	v3 =	vand.u32 $0x7, v3  }
0xa4: {  	v3 =	vor.u32 v3, v4  }
0xa5: {  	v4 =	vperm.xlane v3, v0;
	_ =	sdelay $0x1  }
0xa6: {  	v4 =	vadd.s32 v1, v4;
	_ =	sdelay $0x3  }
0xa7: {  	v3 =	vperm.xlane v3, v2  }
0xa8: {  	[hbm4b:s3+s2] =	stream.indirect_vreg.scatter [tilespmem:s19], [sflag:$0x1], $0x80, v4, vm0, $0xb8;
	[tilespmem:$0x18080] =	vst v63  }
0xa9: {  	v3 =	vadd.s32 v1, v3  }
0xaa: {  	[hbm4b:s4+s2] =	stream.indirect_vreg.scatter [tilespmem:s20], [sflag:$0x1], $0x80, v4, vm0, $0xb8;
	[tilespmem:$0x18080] =	vst v63  }
0xab: {  	_ = 	snop  }
0xac: {  	[hbm4b:s5+s2] =	stream.indirect_vreg.scatter [tilespmem:s21], [sflag:$0x1], $0x80, v4, vm0, $0xb8;
	[tilespmem:$0x18080] =	vst v63  }
0xad: {  	_ = 	snop  }
0xae: {  	[hbm4b:s3+s2] =	stream.indirect_vreg.scatter [tilespmem:s22], [sflag:$0x1], $0x80, v3, vm0, $0xb8;
	[tilespmem:$0x18080] =	vst v63  }
0xaf: {  	_ = 	snop  }
0xb0: {  	[hbm4b:s4+s2] =	stream.indirect_vreg.scatter [tilespmem:s23], [sflag:$0x1], $0x80, v3, vm0, $0xb8;
	[tilespmem:$0x18080] =	vst v63  }
0xb1: {  	_ = 	snop  }
0xb2: {  	[hbm4b:s5+s2] =	stream.indirect_vreg.scatter [tilespmem:s24], [sflag:$0x1], $0x80, v3, vm0, $0xb8;
	[tilespmem:$0x18080] =	vst v63  }
0xb3: {  	v3 =	vld [tilespmem:$0x70];
	_ =	sdelay $0x4  }
0xb4: {  	v63 =	vshrl.u32 v3, $0x3  }
0xb5: {  	v4 =	vmul.u32 $0x30, v63  }
0xb6: {  	v3 =	vand.u32 $0x7, v3  }
0xb7: {  	v3 =	vor.u32 v3, v4  }
0xb8: {  	v4 =	vperm.xlane v3, v0;
	_ =	sdelay $0x1  }
0xb9: {  	v4 =	vadd.s32 v1, v4;
	_ =	sdelay $0x3  }
0xba: {  	v3 =	vperm.xlane v3, v2  }
0xbb: {  	[hbm4b:s3+s2] =	stream.indirect_vreg.scatter [tilespmem:s25], [sflag:$0x1], $0x80, v4, vm0, $0xb8;
	[tilespmem:$0x18080] =	vst v63  }
0xbc: {  	v3 =	vadd.s32 v1, v3  }
0xbd: {  	[hbm4b:s4+s2] =	stream.indirect_vreg.scatter [tilespmem:s26], [sflag:$0x1], $0x80, v4, vm0, $0xb8;
	[tilespmem:$0x18080] =	vst v63  }
0xbe: {  	_ = 	snop  }
0xbf: {  	[hbm4b:s5+s2] =	stream.indirect_vreg.scatter [tilespmem:s28], [sflag:$0x1], $0x80, v4, vm0, $0xb8;
	[tilespmem:$0x18080] =	vst v63  }
0xc0: {  	_ = 	snop  }
0xc1: {  	[hbm4b:s3+s2] =	stream.indirect_vreg.scatter [tilespmem:s29], [sflag:$0x1], $0x80, v3, vm0, $0xb8;
	[tilespmem:$0x18080] =	vst v63  }
0xc2: {  	p0 =	sne.s32 s6, $0x1  }
0xc3: {  	[hbm4b:s4+s2] =	stream.indirect_vreg.scatter [tilespmem:s30], [sflag:$0x1], $0x80, v3, vm0, $0xb8;
	[tilespmem:$0x18080] =	vst v63  }
.Ltmp0:
0xc4: {  	_ = 	snop;
	(pc) =	sbr.rel @p0 .LBB2_1-.Ltmp0, $4  }
0xc5: {  	[hbm4b:s5+s2] =	stream.indirect_vreg.scatter [tilespmem:s31], [sflag:$0x1], $0x80, v3, vm0, $0xb8;
	[tilespmem:$0x18080] =	vst v63  }
0xc6: {  	_ =	swait.ge [sflag:s1], $0x18000  }
0xc7: {  	[sflag:s1] =	ssyncset.done $0x0  }
0xc8: {  	s6 =	sadd.s32 $0xFFFFFFFF, s6;
	[sflag:s1] =	ssyncadd.s32 $0xFFFE8000  }
0xc9: {  	_ =	sfence.sel $0x180000  }
0xca: {  	[bflag:$0x0] =	sbarrier.arrive $0xFFFF  }
0xcb: {  	_ =	strace $0x90000047  }
0xcc: {  	s0 =	stileid.u32;
	[bflag:$0x2] =	sbarrier.arrive $0xFFFF  }
0xcd: {  	p0 =	sne.s32 s0, $0x0;
	s0 =	rddreg [dreg:$0x2]  }
0xce: {  	s0 =	sadd.s32 @!p0 $0x100000, s0  }
0xcf: {  	[sflag:s0] =	ssyncadd.tile.s32 @!p0 $0x1;
	_ =	shalt  }
.Lfunc_end2:
_tile_overlayer_lowered:
.L_overlay_start_2:
0xd0: {  	(tag) =	ssettag $0x2  }
0xd1: {  	s0 =	rddreg [dreg:$0x0];
	s2 =	stileid.u32  }
0xd2: {  	s1 =	rddreg [dreg:$0x1];
	p0 =	sne.s32 s2, $0x0  }
0xd3: {  	s3 =	rddreg [dreg:$0x2];
	[bflag:$0x3] =	sbarrier.arrive $0xFFFF;
	s2 =	simm.s32 @!p0 $0x1C02  }
0xd4: {  	[timem:s3], [sflag:s2] =	dma.local @!p0 [hbm:s0], s1  }
0xd5: {  	s0 =	simm.s32 @!p0 $0x2  }
0xd6: {  	_ =	swait.ge @!p0 [sflag:s0], s1  }
0xd7: {  	s1 =	ssub.s32 @!p0 $0x0, s1;
	[sflag:s0] =	ssyncset.done @!p0 $0x0  }
0xd8: {  	[sflag:s0] =	ssyncadd.s32 @!p0 s1  }
0xd9: {  	[bflag:$0x3] =	sbarrier.arrive $0xFFFF  }
0xda: {  	_ =	shalt  }

</sc_bundles>
